<compile_context>
chip_gen: v7x
topology: tpu7x:2x2x1
jax: 0.10.2.dev20260603
libtpu: 0.0.44.dev20260713+nightly
codegen_flags: <defaults>
</compile_context>

<pallas_src>
import dataclasses
import functools

import jax
import jax.numpy as jnp
from jax import lax
from jax.experimental import pallas as pl
from jax.experimental.pallas import tpu as pltpu
from jax.experimental.pallas import tpu_sc as plsc

NC = 2
NSUB = 16
L = 16
CHUNK = 128

_N = 10000
NACC = 10240
TRASH = _N
HALF = 128

BR = 2000


def _mesh():
    return plsc.VectorSubcoreMesh(
        core_axis_name="c", subcore_axis_name="s",
        num_cores=NC, num_subcores=NSUB)


def _sc_params():
    cp = pltpu.CompilerParams()
    if "needs_layout_passes" in pltpu.CompilerParams.__dataclass_fields__:
        cp = dataclasses.replace(cp, needs_layout_passes=False)
    return cp


def _sc_deg_colm(rowp, colp):
    ep = rowp.shape[0]
    per_w = ep // NSUB
    n_chunks = per_w // CHUNK
    rb = NACC // NSUB

    @functools.partial(
        pl.kernel,
        out_type=[jax.ShapeDtypeStruct((NACC, HALF), jnp.float32),
                  jax.ShapeDtypeStruct((ep,), jnp.int32)],
        mesh=_mesh(),
        compiler_params=_sc_params(),
        scratch_types=[
            pltpu.VMEM((CHUNK,), jnp.int32),
            pltpu.VMEM((CHUNK,), jnp.int32),
            pltpu.VMEM((CHUNK,), jnp.int32),
            pltpu.VMEM((CHUNK, HALF), jnp.float32),
            pltpu.VMEM_SHARED((NACC, HALF), jnp.float32),
        ],
    )
    def k(row_hbm, col_hbm, deg_hbm, colm_hbm,
          row_v, col_v, idxm_v, ones_v, degacc):
        c = lax.axis_index("c")
        s = lax.axis_index("s")

        @pl.loop(0, CHUNK)
        def _(i):
            for j in range(HALF // L):
                ones_v[i, pl.ds(j * L, L)] = jnp.zeros((L,), jnp.float32)

        @pl.when(c == 0)
        def _():
            @pl.loop(0, rb // CHUNK)
            def _(i):
                pltpu.sync_copy(ones_v,
                                degacc.at[pl.ds(s * rb + i * CHUNK, CHUNK)])

        @pl.loop(0, CHUNK)
        def _(i):
            for j in range(HALF // L):
                ones_v[i, pl.ds(j * L, L)] = jnp.full((L,), 1.0, jnp.float32)

        plsc.subcore_barrier()
        base_w = s * per_w

        @pl.loop(0, n_chunks)
        def _(t):
            base = base_w + t * CHUNK
            pltpu.sync_copy(row_hbm.at[pl.ds(base, CHUNK)], row_v)
            pltpu.sync_copy(col_hbm.at[pl.ds(base, CHUNK)], col_v)
            for j in range(CHUNK // L):
                sl = pl.ds(j * L, L)
                r = row_v[sl]
                q = col_v[sl]
                m = r == q

                @pl.when(c == 0)
                def _():
                    idxm_v[sl] = jnp.where(m, TRASH, r)

                @pl.when(c == 1)
                def _():
                    idxm_v[sl] = jnp.where(m, TRASH, q)

            @pl.when(c == 0)
            def _():
                pltpu.sync_copy(ones_v, degacc.at[idxm_v], add=True)

            @pl.when(c == 1)
            def _():
                pltpu.sync_copy(idxm_v, colm_hbm.at[pl.ds(base, CHUNK)])

        plsc.subcore_barrier()

        @pl.when(c == 0)
        def _():
            pltpu.sync_copy(degacc.at[pl.ds(s * rb, rb)],
                            deg_hbm.at[pl.ds(s * rb, rb)])

    return k(rowp, colp)


def _sc_prop(xs0, xs1, rowp, colm):
    ep = rowp.shape[0]
    per_w = ep // NSUB
    n_chunks = per_w // CHUNK
    rb = NACC // NSUB

    @functools.partial(
        pl.kernel,
        out_type=[jax.ShapeDtypeStruct((NACC, HALF), jnp.float32),
                  jax.ShapeDtypeStruct((NACC, HALF), jnp.float32)],
        mesh=_mesh(),
        compiler_params=_sc_params(),
        scratch_types=[
            pltpu.VMEM((CHUNK,), jnp.int32),
            pltpu.VMEM((CHUNK,), jnp.int32),
            pltpu.VMEM((CHUNK, HALF), jnp.float32),
            pltpu.VMEM_SHARED((NACC, HALF), jnp.float32),
            pltpu.SemaphoreType.DMA,
        ],
    )
    def k(x0_hbm, x1_hbm, row_hbm, colm_hbm, o0_hbm, o1_hbm,
          row_v, colm_v, gbuf, acc, sem):
        c = lax.axis_index("c")
        s = lax.axis_index("s")

        @pl.loop(0, CHUNK)
        def _(i):
            for j in range(HALF // L):
                gbuf[i, pl.ds(j * L, L)] = jnp.zeros((L,), jnp.float32)

        @pl.loop(0, rb // CHUNK)
        def _(i):
            pltpu.sync_copy(gbuf, acc.at[pl.ds(s * rb + i * CHUNK, CHUNK)])

        plsc.subcore_barrier()
        base_w = s * per_w

        @pl.loop(0, n_chunks)
        def _(t):
            base = base_w + t * CHUNK
            pltpu.sync_copy(row_hbm.at[pl.ds(base, CHUNK)], row_v)
            pltpu.sync_copy(colm_hbm.at[pl.ds(base, CHUNK)], colm_v)

            @pl.when(c == 0)
            def _():
                pltpu.async_copy(x0_hbm.at[row_v], gbuf, sem).wait()

            @pl.when(c == 1)
            def _():
                pltpu.async_copy(x1_hbm.at[row_v], gbuf, sem).wait()

            pltpu.sync_copy(gbuf, acc.at[colm_v], add=True)

        plsc.subcore_barrier()

        @pl.when(c == 0)
        def _():
            pltpu.sync_copy(acc.at[pl.ds(s * rb, rb)],
                            o0_hbm.at[pl.ds(s * rb, rb)])

        @pl.when(c == 1)
        def _():
            pltpu.sync_copy(acc.at[pl.ds(s * rb, rb)],
                            o1_hbm.at[pl.ds(s * rb, rb)])

    return k(xs0, xs1, rowp, colm)


def _dis(deg_blk):
    return jnp.where(deg_blk > 0.0,
                     lax.rsqrt(jnp.maximum(deg_blk, 1e-12)), 0.0)


def _tc_matmul(a, w):
    n, kk = a.shape
    m = w.shape[1]

    def body(a_ref, w_ref, o_ref):
        o_ref[...] = jnp.dot(a_ref[...], w_ref[...],
                             preferred_element_type=jnp.float32)

    return pl.pallas_call(
        body,
        grid=(n // BR,),
        in_specs=[pl.BlockSpec((BR, kk), lambda i: (i, 0)),
                  pl.BlockSpec((kk, m), lambda i: (0, 0))],
        out_specs=pl.BlockSpec((BR, m), lambda i: (i, 0)),
        out_shape=jax.ShapeDtypeStruct((n, m), jnp.float32),
    )(a, w)


def _tc_prescale(degs, x):
    n, f = x.shape

    def body(deg_ref, x_ref, o0_ref, o1_ref):
        dis = _dis(deg_ref[...])
        xb = x_ref[...]
        o0_ref[...] = xb[:, :HALF] * dis
        o1_ref[...] = xb[:, HALF:] * dis

    return pl.pallas_call(
        body,
        grid=(n // BR,),
        in_specs=[pl.BlockSpec((BR, HALF), lambda i: (i, 0)),
                  pl.BlockSpec((BR, f), lambda i: (i, 0))],
        out_specs=[pl.BlockSpec((BR, HALF), lambda i: (i, 0)),
                   pl.BlockSpec((BR, HALF), lambda i: (i, 0))],
        out_shape=[jax.ShapeDtypeStruct((n, HALF), jnp.float32),
                   jax.ShapeDtypeStruct((n, HALF), jnp.float32)],
    )(degs, x)


def _tc_mid(degs, out0, t0, t1, w11, b1r, w21):
    n, hid = out0.shape
    f = w21.shape[1]

    def body(deg_ref, o0_ref, t0_ref, t1_ref, w11a_ref, w11b_ref, b1_ref,
             w21_ref, h_ref, y0_ref, y1_ref):
        dis = _dis(deg_ref[...])
        a0 = t0_ref[...] * (-dis)
        a1 = t1_ref[...] * (-dis)
        h = (o0_ref[...]
             + jnp.dot(a0, w11a_ref[...], preferred_element_type=jnp.float32)
             + jnp.dot(a1, w11b_ref[...], preferred_element_type=jnp.float32)
             + b1_ref[...])
        h = jnp.maximum(h, 0.0)
        h_ref[...] = h
        y = jnp.dot(h, w21_ref[...], preferred_element_type=jnp.float32)
        y0_ref[...] = y[:, :HALF] * dis
        y1_ref[...] = y[:, HALF:] * dis

    return pl.pallas_call(
        body,
        grid=(n // BR,),
        in_specs=[pl.BlockSpec((BR, HALF), lambda i: (i, 0)),
                  pl.BlockSpec((BR, hid), lambda i: (i, 0)),
                  pl.BlockSpec((BR, HALF), lambda i: (i, 0)),
                  pl.BlockSpec((BR, HALF), lambda i: (i, 0)),
                  pl.BlockSpec((HALF, hid), lambda i: (0, 0)),
                  pl.BlockSpec((HALF, hid), lambda i: (1, 0)),
                  pl.BlockSpec((1, hid), lambda i: (0, 0)),
                  pl.BlockSpec((hid, f), lambda i: (0, 0))],
        out_specs=[pl.BlockSpec((BR, hid), lambda i: (i, 0)),
                   pl.BlockSpec((BR, HALF), lambda i: (i, 0)),
                   pl.BlockSpec((BR, HALF), lambda i: (i, 0))],
        out_shape=[jax.ShapeDtypeStruct((n, hid), jnp.float32),
                   jax.ShapeDtypeStruct((n, HALF), jnp.float32),
                   jax.ShapeDtypeStruct((n, HALF), jnp.float32)],
    )(degs, out0, t0, t1, w11, w11, b1r, w21)


def _tc_final(degs, z, u0, u1, b2r):
    n, f = z.shape

    def body(deg_ref, z_ref, u0_ref, u1_ref, b2_ref, o_ref):
        dis = _dis(deg_ref[...])
        u = jnp.concatenate([u0_ref[...] * dis, u1_ref[...] * dis], axis=1)
        o_ref[...] = jnp.maximum(z_ref[...] - u + b2_ref[...], 0.0)

    return pl.pallas_call(
        body,
        grid=(n // BR,),
        in_specs=[pl.BlockSpec((BR, HALF), lambda i: (i, 0)),
                  pl.BlockSpec((BR, f), lambda i: (i, 0)),
                  pl.BlockSpec((BR, HALF), lambda i: (i, 0)),
                  pl.BlockSpec((BR, HALF), lambda i: (i, 0)),
                  pl.BlockSpec((1, f), lambda i: (0, 0))],
        out_specs=pl.BlockSpec((BR, f), lambda i: (i, 0)),
        out_shape=jax.ShapeDtypeStruct((n, f), jnp.float32),
    )(degs, z, u0, u1, b2r)


def kernel(x, edge_index, W1_0, W1_1, b1, W2_0, W2_1, b2):
    n = x.shape[0]
    e = edge_index.shape[1]
    ew = NSUB * CHUNK
    ep = ((e + ew - 1) // ew) * ew
    rowp = jnp.concatenate(
        [edge_index[0], jnp.zeros((ep - e,), jnp.int32)])
    colp = jnp.concatenate(
        [edge_index[1], jnp.zeros((ep - e,), jnp.int32)])
    b1r = b1.reshape(1, -1)
    b2r = b2.reshape(1, -1)

    degs, colm = _sc_deg_colm(rowp, colp)
    out0 = _tc_matmul(x, W1_0)
    xs0, xs1 = _tc_prescale(degs, x)
    t0, t1 = _sc_prop(xs0, xs1, rowp, colm)
    h, ys0, ys1 = _tc_mid(degs, out0, t0, t1, W1_1, b1r, W2_1)
    z = _tc_matmul(h, W2_0)
    u0, u1 = _sc_prop(ys0, ys1, rowp, colm)
    return _tc_final(degs, z, u0, u1, b2r)

# --- scband reference (transcript-rebuilt; emitter-appended) ---
"""Pipeline reference for scband-cheb-net-61615600828946 (READ-ONLY COPY).

The authoritative reference and input builder live on the scoring server;
editing this copy changes nothing except your own understanding.
"""

import jax, jax.numpy as jnp
import numpy as np

N = 10000
E = 160000
F_IN = 256
HID = 512


def setup_inputs(seed: int = 0) -> dict:
    key = jax.random.key(seed)
    ks = jax.random.split(key, 9)
    x = jax.random.normal(ks[0], (N, F_IN), dtype=jnp.float32)
    edge_index = jax.random.randint(ks[1], (2, E), 0, N, dtype=jnp.int32)
    # ChebConv has K separate bias-free Linear layers plus one shared bias per conv.
    s1 = float(np.sqrt(2.0 / (F_IN + HID)))
    s2 = float(np.sqrt(2.0 / (HID + F_IN)))
    W1_0 = jax.random.normal(ks[2], (F_IN, HID), dtype=jnp.float32) * s1
    W1_1 = jax.random.normal(ks[3], (F_IN, HID), dtype=jnp.float32) * s1
    b1 = jnp.zeros((HID,), dtype=jnp.float32)
    W2_0 = jax.random.normal(ks[4], (HID, F_IN), dtype=jnp.float32) * s2
    W2_1 = jax.random.normal(ks[5], (HID, F_IN), dtype=jnp.float32) * s2
    b2 = jnp.zeros((F_IN,), dtype=jnp.float32)
    return {"x": x, "edge_index": edge_index, "W1_0": W1_0, "W1_1": W1_1,
            "b1": b1, "W2_0": W2_0, "W2_1": W2_1, "b2": b2}


def _cheb_conv(x, edge_index, W0, W1, b):
    # Faithful to PyG ChebConv with normalization='sym', lambda_max=2.0, K=2:
    # remove self loops -> L = I - D^{-1/2} A D^{-1/2} -> scale by 2/lambda_max=1
    # -> add self loops with weight -1, which cancels the +1 diagonal.
    # Net propagation operator: L_hat = -D^{-1/2} A D^{-1/2} on non-self-loop edges.
    row, col = edge_index[0], edge_index[1]
    num_nodes = x.shape[0]
    ew = jnp.where(row != col, 1.0, 0.0).astype(jnp.float32)  # remove_self_loops
    deg = jnp.zeros((num_nodes,), jnp.float32).at[row].add(ew)
    dis = jnp.where(deg > 0, jax.lax.rsqrt(jnp.maximum(deg, 1e-12)), 0.0)
    norm = -(dis[row] * ew * dis[col])

    def prop(t):
        msg = norm[:, None] * t[row]
        return jnp.zeros_like(t).at[col].add(msg)

    Tx0 = x
    out = Tx0 @ W0
    Tx1 = prop(Tx0)
    out = out + Tx1 @ W1
    return out + b


def reference(x, edge_index, W1_0, W1_1, b1, W2_0, W2_1, b2):
    # eval mode: dropout(p=0.5) is identity
    h = _cheb_conv(x, edge_index, W1_0, W1_1, b1)
    h = jax.nn.relu(h)
    h = _cheb_conv(h, edge_index, W2_0, W2_1, b2)
    return jax.nn.relu(h)

if __name__ == "__main__":
    import jax
    _d = setup_inputs()
    print(jax.jit(kernel)(*tuple(_d.values())))

</pallas_src>

<mosaic_0001>
#map = affine_map<(d0, d1) -> (0, 0)>
#map1 = affine_map<(d0, d1) -> (0)>
module attributes {stable_mosaic.version = 14 : i64} {
  func.func @k(%arg0: i32, %arg1: i32, %arg2: memref<10000x128xf32, #tpu.memory_space<hbm>>, %arg3: memref<10000x128xf32, #tpu.memory_space<hbm>>, %arg4: memref<161792xi32, #tpu.memory_space<hbm>>, %arg5: memref<161792xi32, #tpu.memory_space<hbm>>, %arg6: memref<10240x128xf32, #tpu.memory_space<hbm>>, %arg7: memref<10240x128xf32, #tpu.memory_space<hbm>>, %arg8: memref<128xi32, #tpu.memory_space<vmem>>, %arg9: memref<128xi32, #tpu.memory_space<vmem>>, %arg10: memref<128x128xf32, #tpu.memory_space<vmem>>, %arg11: memref<10240x128xf32, #tpu.memory_space<vmem_shared>>, %arg12: memref<!tpu.dma_semaphore, #tpu.memory_space<semaphore_mem>>) attributes {dimension_semantics = [#tpu.dimension_semantics<core_parallel>, #tpu.dimension_semantics<subcore_parallel>], iteration_bounds = array<i64: 2, 16>, scalar_prefetch = 0 : i64, scratch_operands = 5 : i64, tpu.core_type = #tpu.core_type<sc_vector_subcore>, window_params = [{transform_indices = #map}, {transform_indices = #map}, {transform_indices = #map1}, {transform_indices = #map1}, {transform_indices = #map}, {transform_indices = #map}]} {
    %scan3A = arith.constant 0 : i32
    %scan3A_0 = arith.constant 128 : i32
    %scan3A_1 = arith.addi %scan3A, %scan3A_0 : i32
    %scan3A_2 = arith.constant 1 : i32
    scf.for %scan3A_23 = %scan3A to %scan3A_1 step %scan3A_2  : i32 {
      %mul3A_24 = arith.constant 1 : i32
      %mul3A_25 = arith.muli %scan3A_23, %mul3A_24 : i32
      %add3A = arith.constant 0 : i32
      %add3A_26 = arith.addi %add3A, %mul3A_25 : i32
      %broadcast_in_dim3A = arith.constant 0.000000e+00 : f32
      %broadcast_in_dim3A_27 = vector.broadcast %broadcast_in_dim3A : f32 to vector<16xf32>
      %swap3A = arith.index_cast %add3A_26 : i32 to index
      %swap3A_28 = arith.constant 0 : index
      %swap3A_29 = tpu.vector_load %arg10[%swap3A, %swap3A_28] {strides = array<i32>} : memref<128x128xf32, #tpu.memory_space<vmem>>, vector<16xf32>,
      tpu.vector_store %arg10[%swap3A, %swap3A_28], %broadcast_in_dim3A_27 {strides = array<i32>} : memref<128x128xf32, #tpu.memory_space<vmem>>, vector<16xf32>,
      %broadcast_in_dim3A_30 = arith.constant 0.000000e+00 : f32
      %broadcast_in_dim3A_31 = vector.broadcast %broadcast_in_dim3A_30 : f32 to vector<16xf32>
      %swap3A_32 = arith.index_cast %add3A_26 : i32 to index
      %swap3A_33 = arith.constant 16 : index
      %swap3A_34 = tpu.vector_load %arg10[%swap3A_32, %swap3A_33] {strides = array<i32>} : memref<128x128xf32, #tpu.memory_space<vmem>>, vector<16xf32>,
      tpu.vector_store %arg10[%swap3A_32, %swap3A_33], %broadcast_in_dim3A_31 {strides = array<i32>} : memref<128x128xf32, #tpu.memory_space<vmem>>, vector<16xf32>,
      %broadcast_in_dim3A_35 = arith.constant 0.000000e+00 : f32
      %broadcast_in_dim3A_36 = vector.broadcast %broadcast_in_dim3A_35 : f32 to vector<16xf32>
      %swap3A_37 = arith.index_cast %add3A_26 : i32 to index
      %swap3A_38 = arith.constant 32 : index
      %swap3A_39 = tpu.vector_load %arg10[%swap3A_37, %swap3A_38] {strides = array<i32>} : memref<128x128xf32, #tpu.memory_space<vmem>>, vector<16xf32>,
      tpu.vector_store %arg10[%swap3A_37, %swap3A_38], %broadcast_in_dim3A_36 {strides = array<i32>} : memref<128x128xf32, #tpu.memory_space<vmem>>, vector<16xf32>,
      %broadcast_in_dim3A_40 = arith.constant 0.000000e+00 : f32
      %broadcast_in_dim3A_41 = vector.broadcast %broadcast_in_dim3A_40 : f32 to vector<16xf32>
      %swap3A_42 = arith.index_cast %add3A_26 : i32 to index
      %swap3A_43 = arith.constant 48 : index
      %swap3A_44 = tpu.vector_load %arg10[%swap3A_42, %swap3A_43] {strides = array<i32>} : memref<128x128xf32, #tpu.memory_space<vmem>>, vector<16xf32>,
      tpu.vector_store %arg10[%swap3A_42, %swap3A_43], %broadcast_in_dim3A_41 {strides = array<i32>} : memref<128x128xf32, #tpu.memory_space<vmem>>, vector<16xf32>,
      %broadcast_in_dim3A_45 = arith.constant 0.000000e+00 : f32
      %broadcast_in_dim3A_46 = vector.broadcast %broadcast_in_dim3A_45 : f32 to vector<16xf32>
      %swap3A_47 = arith.index_cast %add3A_26 : i32 to index
      %swap3A_48 = arith.constant 64 : index
      %swap3A_49 = tpu.vector_load %arg10[%swap3A_47, %swap3A_48] {strides = array<i32>} : memref<128x128xf32, #tpu.memory_space<vmem>>, vector<16xf32>,
      tpu.vector_store %arg10[%swap3A_47, %swap3A_48], %broadcast_in_dim3A_46 {strides = array<i32>} : memref<128x128xf32, #tpu.memory_space<vmem>>, vector<16xf32>,
      %broadcast_in_dim3A_50 = arith.constant 0.000000e+00 : f32
      %broadcast_in_dim3A_51 = vector.broadcast %broadcast_in_dim3A_50 : f32 to vector<16xf32>
      %swap3A_52 = arith.index_cast %add3A_26 : i32 to index
      %swap3A_53 = arith.constant 80 : index
      %swap3A_54 = tpu.vector_load %arg10[%swap3A_52, %swap3A_53] {strides = array<i32>} : memref<128x128xf32, #tpu.memory_space<vmem>>, vector<16xf32>,
      tpu.vector_store %arg10[%swap3A_52, %swap3A_53], %broadcast_in_dim3A_51 {strides = array<i32>} : memref<128x128xf32, #tpu.memory_space<vmem>>, vector<16xf32>,
      %broadcast_in_dim3A_55 = arith.constant 0.000000e+00 : f32
      %broadcast_in_dim3A_56 = vector.broadcast %broadcast_in_dim3A_55 : f32 to vector<16xf32>
      %swap3A_57 = arith.index_cast %add3A_26 : i32 to index
      %swap3A_58 = arith.constant 96 : index
      %swap3A_59 = tpu.vector_load %arg10[%swap3A_57, %swap3A_58] {strides = array<i32>} : memref<128x128xf32, #tpu.memory_space<vmem>>, vector<16xf32>,
      tpu.vector_store %arg10[%swap3A_57, %swap3A_58], %broadcast_in_dim3A_56 {strides = array<i32>} : memref<128x128xf32, #tpu.memory_space<vmem>>, vector<16xf32>,
      %broadcast_in_dim3A_60 = arith.constant 0.000000e+00 : f32
      %broadcast_in_dim3A_61 = vector.broadcast %broadcast_in_dim3A_60 : f32 to vector<16xf32>
      %swap3A_62 = arith.index_cast %add3A_26 : i32 to index
      %swap3A_63 = arith.constant 112 : index
      %swap3A_64 = tpu.vector_load %arg10[%swap3A_62, %swap3A_63] {strides = array<i32>} : memref<128x128xf32, #tpu.memory_space<vmem>>, vector<16xf32>,
      tpu.vector_store %arg10[%swap3A_62, %swap3A_63], %broadcast_in_dim3A_61 {strides = array<i32>} : memref<128x128xf32, #tpu.memory_space<vmem>>, vector<16xf32>,
    }
    %scan3A_3 = arith.constant 128 : i32
    %scan3A_4 = arith.constant 0 : i32
    %scan3A_5 = arith.constant 5 : i32
    %scan3A_6 = arith.addi %scan3A_4, %scan3A_5 : i32
    %scan3A_7 = arith.constant 1 : i32
    scf.for %scan3A_23 = %scan3A_4 to %scan3A_6 step %scan3A_7  : i32 {
      %mul3A_24 = arith.constant 1 : i32
      %mul3A_25 = arith.muli %scan3A_23, %mul3A_24 : i32
      %add3A = arith.constant 0 : i32
      %add3A_26 = arith.addi %add3A, %mul3A_25 : i32
      %mul3A_27 = arith.constant 640 : i32
      %mul3A_28 = arith.muli %arg1, %mul3A_27 : i32
      %mul3A_29 = arith.constant 128 : i32
      %mul3A_30 = arith.muli %add3A_26, %mul3A_29 : i32
      %add3A_31 = arith.addi %mul3A_28, %mul3A_30 : i32
      "tpu.region"() ({
        %run_scoped3A = tpu.sem_alloc : memref<!tpu.dma_semaphore, #tpu.memory_space<semaphore_mem>>
        %dma_start3A = arith.constant 0 : i32
        %dma_start3A_32 = tpu.memref_slice %arg11[%add3A_31, %dma_start3A] : memref<10240x128xf32, #tpu.memory_space<vmem_shared>> -> memref<128x128xf32, #tpu.memory_space<vmem_shared>>
        %dma_start3A_33 = arith.constant 0 : i32
        %dma_start3A_34 = tpu.memref_slice %arg11[%add3A_31, %dma_start3A_33] : memref<10240x128xf32, #tpu.memory_space<vmem_shared>> -> memref<128x128xf32, #tpu.memory_space<vmem_shared>>
        tpu.enqueue_dma source(%arg10 : memref<128x128xf32, #tpu.memory_space<vmem>>) target(%dma_start3A_34 : memref<128x128xf32, #tpu.memory_space<vmem_shared>>) target_semaphore(%run_scoped3A : memref<!tpu.dma_semaphore, #tpu.memory_space<semaphore_mem>>)
        %dma_wait3A = arith.constant 0 : i32
        %dma_wait3A_35 = tpu.memref_slice %arg11[%add3A_31, %dma_wait3A] : memref<10240x128xf32, #tpu.memory_space<vmem_shared>> -> memref<128x128xf32, #tpu.memory_space<vmem_shared>>
        %dma_wait3A_36 = arith.constant 0 : i32
        %dma_wait3A_37 = tpu.memref_slice %arg11[%add3A_31, %dma_wait3A_36] : memref<10240x128xf32, #tpu.memory_space<vmem_shared>> -> memref<128x128xf32, #tpu.memory_space<vmem_shared>>
        tpu.wait_dma2 semaphore(%run_scoped3A : memref<!tpu.dma_semaphore, #tpu.memory_space<semaphore_mem>>) src(%arg10 : memref<128x128xf32, #tpu.memory_space<vmem>>) dst(%dma_wait3A_37 : memref<128x128xf32, #tpu.memory_space<vmem_shared>>)
        tpu.yield
      }) : () -> ()
    }
    %scan3A_8 = arith.constant 5 : i32
    %barrier3A = arith.constant 0 : index
    tpu.barrier barrier_id(%barrier3A)
    %mul3A = arith.constant 10112 : i32
    %mul3A_9 = arith.muli %arg1, %mul3A : i32
    %scan3A_10 = arith.constant 0 : i32
    %scan3A_11 = arith.constant 79 : i32
    %scan3A_12 = arith.addi %scan3A_10, %scan3A_11 : i32
    %scan3A_13 = arith.constant 1 : i32
    scf.for %scan3A_23 = %scan3A_10 to %scan3A_12 step %scan3A_13  : i32 {
      %mul3A_24 = arith.constant 1 : i32
      %mul3A_25 = arith.muli %scan3A_23, %mul3A_24 : i32
      %add3A = arith.constant 0 : i32
      %add3A_26 = arith.addi %add3A, %mul3A_25 : i32
      %mul3A_27 = arith.constant 128 : i32
      %mul3A_28 = arith.muli %add3A_26, %mul3A_27 : i32
      %add3A_29 = arith.addi %mul3A_9, %mul3A_28 : i32
      "tpu.region"() ({
        %run_scoped3A = tpu.sem_alloc : memref<!tpu.dma_semaphore, #tpu.memory_space<semaphore_mem>>
        %dma_start3A = tpu.memref_slice %arg4[%add3A_29] : memref<161792xi32, #tpu.memory_space<hbm>> -> memref<128xi32, #tpu.memory_space<hbm>>
        %dma_start3A_40 = tpu.memref_slice %arg4[%add3A_29] : memref<161792xi32, #tpu.memory_space<hbm>> -> memref<128xi32, #tpu.memory_space<hbm>>
        tpu.enqueue_dma source(%dma_start3A_40 : memref<128xi32, #tpu.memory_space<hbm>>) target(%arg8 : memref<128xi32, #tpu.memory_space<vmem>>) target_semaphore(%run_scoped3A : memref<!tpu.dma_semaphore, #tpu.memory_space<semaphore_mem>>)
        %dma_wait3A = tpu.memref_slice %arg4[%add3A_29] : memref<161792xi32, #tpu.memory_space<hbm>> -> memref<128xi32, #tpu.memory_space<hbm>>
        %dma_wait3A_41 = tpu.memref_slice %arg4[%add3A_29] : memref<161792xi32, #tpu.memory_space<hbm>> -> memref<128xi32, #tpu.memory_space<hbm>>
        tpu.wait_dma2 semaphore(%run_scoped3A : memref<!tpu.dma_semaphore, #tpu.memory_space<semaphore_mem>>) src(%dma_wait3A_41 : memref<128xi32, #tpu.memory_space<hbm>>) dst(%arg8 : memref<128xi32, #tpu.memory_space<vmem>>)
        tpu.yield
      }) : () -> ()
      "tpu.region"() ({
        %run_scoped3A = tpu.sem_alloc : memref<!tpu.dma_semaphore, #tpu.memory_space<semaphore_mem>>
        %dma_start3A = tpu.memref_slice %arg5[%add3A_29] : memref<161792xi32, #tpu.memory_space<hbm>> -> memref<128xi32, #tpu.memory_space<hbm>>
        %dma_start3A_40 = tpu.memref_slice %arg5[%add3A_29] : memref<161792xi32, #tpu.memory_space<hbm>> -> memref<128xi32, #tpu.memory_space<hbm>>
        tpu.enqueue_dma source(%dma_start3A_40 : memref<128xi32, #tpu.memory_space<hbm>>) target(%arg9 : memref<128xi32, #tpu.memory_space<vmem>>) target_semaphore(%run_scoped3A : memref<!tpu.dma_semaphore, #tpu.memory_space<semaphore_mem>>)
        %dma_wait3A = tpu.memref_slice %arg5[%add3A_29] : memref<161792xi32, #tpu.memory_space<hbm>> -> memref<128xi32, #tpu.memory_space<hbm>>
        %dma_wait3A_41 = tpu.memref_slice %arg5[%add3A_29] : memref<161792xi32, #tpu.memory_space<hbm>> -> memref<128xi32, #tpu.memory_space<hbm>>
        tpu.wait_dma2 semaphore(%run_scoped3A : memref<!tpu.dma_semaphore, #tpu.memory_space<semaphore_mem>>) src(%dma_wait3A_41 : memref<128xi32, #tpu.memory_space<hbm>>) dst(%arg9 : memref<128xi32, #tpu.memory_space<vmem>>)
        tpu.yield
      }) : () -> ()
      %eq3A_30 = arith.constant 0 : i32
      %eq3A_31 = arith.cmpi eq, %arg0, %eq3A_30 : i32
      %convert_element_type3A_32 = arith.extui %eq3A_31 : i1 to i32
      %cond3A_33 = arith.constant 0 : i32
      %cond3A_34 = arith.cmpi ne, %convert_element_type3A_32, %cond3A_33 : i32
      scf.if %cond3A_34 {
        %dma_start3A = arith.constant 0 : i32
        %dma_start3A_40 = arith.constant 0 : i32
        %dma_start3A_41 = tpu.memref_slice %arg2[%dma_start3A, %dma_start3A_40] : memref<10000x128xf32, #tpu.memory_space<hbm>> -> memref<10000x128xf32, #tpu.memory_space<hbm>>
        tpu.enqueue_indirect_dma source(%dma_start3A_41 : memref<10000x128xf32, #tpu.memory_space<hbm>>) target(%arg10 : memref<128x128xf32, #tpu.memory_space<vmem>>) offsets(%arg8 : memref<128xi32, #tpu.memory_space<vmem>>) semaphore(%arg12 : memref<!tpu.dma_semaphore, #tpu.memory_space<semaphore_mem>>)
        %dma_wait3A = arith.constant 0 : i32
        %dma_wait3A_42 = arith.constant 0 : i32
        %dma_wait3A_43 = tpu.memref_slice %arg2[%dma_wait3A, %dma_wait3A_42] : memref<10000x128xf32, #tpu.memory_space<hbm>> -> memref<10000x128xf32, #tpu.memory_space<hbm>>
        tpu.wait_indirect_dma semaphore(%arg12 : memref<!tpu.dma_semaphore, #tpu.memory_space<semaphore_mem>>) src(%dma_wait3A_43 : memref<10000x128xf32, #tpu.memory_space<hbm>>) dst(%arg10 : memref<128x128xf32, #tpu.memory_space<vmem>>)
      } else {
      }
      %eq3A_35 = arith.constant 1 : i32
      %eq3A_36 = arith.cmpi eq, %arg0, %eq3A_35 : i32
      %convert_element_type3A_37 = arith.extui %eq3A_36 : i1 to i32
      %cond3A_38 = arith.constant 0 : i32
      %cond3A_39 = arith.cmpi ne, %convert_element_type3A_37, %cond3A_38 : i32
      scf.if %cond3A_39 {
        %dma_start3A = arith.constant 0 : i32
        %dma_start3A_40 = arith.constant 0 : i32
        %dma_start3A_41 = tpu.memref_slice %arg3[%dma_start3A, %dma_start3A_40] : memref<10000x128xf32, #tpu.memory_space<hbm>> -> memref<10000x128xf32, #tpu.memory_space<hbm>>
        tpu.enqueue_indirect_dma source(%dma_start3A_41 : memref<10000x128xf32, #tpu.memory_space<hbm>>) target(%arg10 : memref<128x128xf32, #tpu.memory_space<vmem>>) offsets(%arg8 : memref<128xi32, #tpu.memory_space<vmem>>) semaphore(%arg12 : memref<!tpu.dma_semaphore, #tpu.memory_space<semaphore_mem>>)
        %dma_wait3A = arith.constant 0 : i32
        %dma_wait3A_42 = arith.constant 0 : i32
        %dma_wait3A_43 = tpu.memref_slice %arg3[%dma_wait3A, %dma_wait3A_42] : memref<10000x128xf32, #tpu.memory_space<hbm>> -> memref<10000x128xf32, #tpu.memory_space<hbm>>
        tpu.wait_indirect_dma semaphore(%arg12 : memref<!tpu.dma_semaphore, #tpu.memory_space<semaphore_mem>>) src(%dma_wait3A_43 : memref<10000x128xf32, #tpu.memory_space<hbm>>) dst(%arg10 : memref<128x128xf32, #tpu.memory_space<vmem>>)
      } else {
      }
      "tpu.region"() ({
        %run_scoped3A = tpu.sem_alloc : memref<!tpu.dma_semaphore, #tpu.memory_space<semaphore_mem>>
        %dma_start3A = arith.constant 0 : i32
        %dma_start3A_40 = arith.constant 0 : i32
        %dma_start3A_41 = tpu.memref_slice %arg11[%dma_start3A, %dma_start3A_40] : memref<10240x128xf32, #tpu.memory_space<vmem_shared>> -> memref<10240x128xf32, #tpu.memory_space<vmem_shared>>
        tpu.enqueue_indirect_dma source(%arg10 : memref<128x128xf32, #tpu.memory_space<vmem>>) target(%dma_start3A_41 : memref<10240x128xf32, #tpu.memory_space<vmem_shared>>) offsets(%arg9 : memref<128xi32, #tpu.memory_space<vmem>>) semaphore(%run_scoped3A : memref<!tpu.dma_semaphore, #tpu.memory_space<semaphore_mem>>) {add = true}
        %dma_wait3A = arith.constant 0 : i32
        %dma_wait3A_42 = arith.constant 0 : i32
        %dma_wait3A_43 = tpu.memref_slice %arg11[%dma_wait3A, %dma_wait3A_42] : memref<10240x128xf32, #tpu.memory_space<vmem_shared>> -> memref<10240x128xf32, #tpu.memory_space<vmem_shared>>
        tpu.wait_indirect_dma semaphore(%run_scoped3A : memref<!tpu.dma_semaphore, #tpu.memory_space<semaphore_mem>>) src(%arg10 : memref<128x128xf32, #tpu.memory_space<vmem>>) dst(%dma_wait3A_43 : memref<10240x128xf32, #tpu.memory_space<vmem_shared>>)
        tpu.yield
      }) : () -> ()
    }
    %scan3A_14 = arith.constant 79 : i32
    %barrier3A_15 = arith.constant 0 : index
    tpu.barrier barrier_id(%barrier3A_15)
    %eq3A = arith.constant 0 : i32
    %eq3A_16 = arith.cmpi eq, %arg0, %eq3A : i32
    %convert_element_type3A = arith.extui %eq3A_16 : i1 to i32
    %cond3A = arith.constant 0 : i32
    %cond3A_17 = arith.cmpi ne, %convert_element_type3A, %cond3A : i32
    scf.if %cond3A_17 {
      %mul3A_23 = arith.constant 640 : i32
      %mul3A_24 = arith.muli %arg1, %mul3A_23 : i32
      %mul3A_25 = arith.constant 640 : i32
      %mul3A_26 = arith.muli %arg1, %mul3A_25 : i32
      "tpu.region"() ({
        %run_scoped3A = tpu.sem_alloc : memref<!tpu.dma_semaphore, #tpu.memory_space<semaphore_mem>>
        %dma_start3A = arith.constant 0 : i32
        %dma_start3A_27 = tpu.memref_slice %arg6[%mul3A_26, %dma_start3A] : memref<10240x128xf32, #tpu.memory_space<hbm>> -> memref<640x128xf32, #tpu.memory_space<hbm>>
        %dma_start3A_28 = arith.constant 0 : i32
        %dma_start3A_29 = tpu.memref_slice %arg11[%mul3A_24, %dma_start3A_28] : memref<10240x128xf32, #tpu.memory_space<vmem_shared>> -> memref<640x128xf32, #tpu.memory_space<vmem_shared>>
        tpu.enqueue_dma source(%dma_start3A_29 : memref<640x128xf32, #tpu.memory_space<vmem_shared>>) target(%dma_start3A_27 : memref<640x128xf32, #tpu.memory_space<hbm>>) target_semaphore(%run_scoped3A : memref<!tpu.dma_semaphore, #tpu.memory_space<semaphore_mem>>)
        %dma_wait3A = arith.constant 0 : i32
        %dma_wait3A_30 = tpu.memref_slice %arg6[%mul3A_26, %dma_wait3A] : memref<10240x128xf32, #tpu.memory_space<hbm>> -> memref<640x128xf32, #tpu.memory_space<hbm>>
        %dma_wait3A_31 = arith.constant 0 : i32
        %dma_wait3A_32 = tpu.memref_slice %arg11[%mul3A_24, %dma_wait3A_31] : memref<10240x128xf32, #tpu.memory_space<vmem_shared>> -> memref<640x128xf32, #tpu.memory_space<vmem_shared>>
        tpu.wait_dma2 semaphore(%run_scoped3A : memref<!tpu.dma_semaphore, #tpu.memory_space<semaphore_mem>>) src(%dma_wait3A_32 : memref<640x128xf32, #tpu.memory_space<vmem_shared>>) dst(%dma_wait3A_30 : memref<640x128xf32, #tpu.memory_space<hbm>>)
        tpu.yield
      }) : () -> ()
    } else {
    }
    %eq3A_18 = arith.constant 1 : i32
    %eq3A_19 = arith.cmpi eq, %arg0, %eq3A_18 : i32
    %convert_element_type3A_20 = arith.extui %eq3A_19 : i1 to i32
    %cond3A_21 = arith.constant 0 : i32
    %cond3A_22 = arith.cmpi ne, %convert_element_type3A_20, %cond3A_21 : i32
    scf.if %cond3A_22 {
      %mul3A_23 = arith.constant 640 : i32
      %mul3A_24 = arith.muli %arg1, %mul3A_23 : i32
      %mul3A_25 = arith.constant 640 : i32
      %mul3A_26 = arith.muli %arg1, %mul3A_25 : i32
      "tpu.region"() ({
        %run_scoped3A = tpu.sem_alloc : memref<!tpu.dma_semaphore, #tpu.memory_space<semaphore_mem>>
        %dma_start3A = arith.constant 0 : i32
        %dma_start3A_27 = tpu.memref_slice %arg7[%mul3A_26, %dma_start3A] : memref<10240x128xf32, #tpu.memory_space<hbm>> -> memref<640x128xf32, #tpu.memory_space<hbm>>
        %dma_start3A_28 = arith.constant 0 : i32
        %dma_start3A_29 = tpu.memref_slice %arg11[%mul3A_24, %dma_start3A_28] : memref<10240x128xf32, #tpu.memory_space<vmem_shared>> -> memref<640x128xf32, #tpu.memory_space<vmem_shared>>
        tpu.enqueue_dma source(%dma_start3A_29 : memref<640x128xf32, #tpu.memory_space<vmem_shared>>) target(%dma_start3A_27 : memref<640x128xf32, #tpu.memory_space<hbm>>) target_semaphore(%run_scoped3A : memref<!tpu.dma_semaphore, #tpu.memory_space<semaphore_mem>>)
        %dma_wait3A = arith.constant 0 : i32
        %dma_wait3A_30 = tpu.memref_slice %arg7[%mul3A_26, %dma_wait3A] : memref<10240x128xf32, #tpu.memory_space<hbm>> -> memref<640x128xf32, #tpu.memory_space<hbm>>
        %dma_wait3A_31 = arith.constant 0 : i32
        %dma_wait3A_32 = tpu.memref_slice %arg11[%mul3A_24, %dma_wait3A_31] : memref<10240x128xf32, #tpu.memory_space<vmem_shared>> -> memref<640x128xf32, #tpu.memory_space<vmem_shared>>
        tpu.wait_dma2 semaphore(%run_scoped3A : memref<!tpu.dma_semaphore, #tpu.memory_space<semaphore_mem>>) src(%dma_wait3A_32 : memref<640x128xf32, #tpu.memory_space<vmem_shared>>) dst(%dma_wait3A_30 : memref<640x128xf32, #tpu.memory_space<hbm>>)
        tpu.yield
      }) : () -> ()
    } else {
    }
    return
  }
}

#map = affine_map<(d0, d1) -> (0)>
#map1 = affine_map<(d0, d1) -> (0, 0)>
module attributes {stable_mosaic.version = 14 : i64} {
  func.func @k(%arg0: i32, %arg1: i32, %arg2: memref<161792xi32, #tpu.memory_space<hbm>>, %arg3: memref<161792xi32, #tpu.memory_space<hbm>>, %arg4: memref<10240x128xf32, #tpu.memory_space<hbm>>, %arg5: memref<161792xi32, #tpu.memory_space<hbm>>, %arg6: memref<128xi32, #tpu.memory_space<vmem>>, %arg7: memref<128xi32, #tpu.memory_space<vmem>>, %arg8: memref<128xi32, #tpu.memory_space<vmem>>, %arg9: memref<128x128xf32, #tpu.memory_space<vmem>>, %arg10: memref<10240x128xf32, #tpu.memory_space<vmem_shared>>) attributes {dimension_semantics = [#tpu.dimension_semantics<core_parallel>, #tpu.dimension_semantics<subcore_parallel>], iteration_bounds = array<i64: 2, 16>, scalar_prefetch = 0 : i64, scratch_operands = 5 : i64, tpu.core_type = #tpu.core_type<sc_vector_subcore>, window_params = [{transform_indices = #map}, {transform_indices = #map}, {transform_indices = #map1}, {transform_indices = #map}]} {
    %scan3A = arith.constant 0 : i32
    %scan3A_0 = arith.constant 128 : i32
    %scan3A_1 = arith.addi %scan3A, %scan3A_0 : i32
    %scan3A_2 = arith.constant 1 : i32
    scf.for %scan3A_23 = %scan3A to %scan3A_1 step %scan3A_2  : i32 {
      %mul3A_24 = arith.constant 1 : i32
      %mul3A_25 = arith.muli %scan3A_23, %mul3A_24 : i32
      %add3A = arith.constant 0 : i32
      %add3A_26 = arith.addi %add3A, %mul3A_25 : i32
      %broadcast_in_dim3A = arith.constant 0.000000e+00 : f32
      %broadcast_in_dim3A_27 = vector.broadcast %broadcast_in_dim3A : f32 to vector<16xf32>
      %swap3A = arith.index_cast %add3A_26 : i32 to index
      %swap3A_28 = arith.constant 0 : index
      %swap3A_29 = tpu.vector_load %arg9[%swap3A, %swap3A_28] {strides = array<i32>} : memref<128x128xf32, #tpu.memory_space<vmem>>, vector<16xf32>,
      tpu.vector_store %arg9[%swap3A, %swap3A_28], %broadcast_in_dim3A_27 {strides = array<i32>} : memref<128x128xf32, #tpu.memory_space<vmem>>, vector<16xf32>,
      %broadcast_in_dim3A_30 = arith.constant 0.000000e+00 : f32
      %broadcast_in_dim3A_31 = vector.broadcast %broadcast_in_dim3A_30 : f32 to vector<16xf32>
      %swap3A_32 = arith.index_cast %add3A_26 : i32 to index
      %swap3A_33 = arith.constant 16 : index
      %swap3A_34 = tpu.vector_load %arg9[%swap3A_32, %swap3A_33] {strides = array<i32>} : memref<128x128xf32, #tpu.memory_space<vmem>>, vector<16xf32>,
      tpu.vector_store %arg9[%swap3A_32, %swap3A_33], %broadcast_in_dim3A_31 {strides = array<i32>} : memref<128x128xf32, #tpu.memory_space<vmem>>, vector<16xf32>,
      %broadcast_in_dim3A_35 = arith.constant 0.000000e+00 : f32
      %broadcast_in_dim3A_36 = vector.broadcast %broadcast_in_dim3A_35 : f32 to vector<16xf32>
      %swap3A_37 = arith.index_cast %add3A_26 : i32 to index
      %swap3A_38 = arith.constant 32 : index
      %swap3A_39 = tpu.vector_load %arg9[%swap3A_37, %swap3A_38] {strides = array<i32>} : memref<128x128xf32, #tpu.memory_space<vmem>>, vector<16xf32>,
      tpu.vector_store %arg9[%swap3A_37, %swap3A_38], %broadcast_in_dim3A_36 {strides = array<i32>} : memref<128x128xf32, #tpu.memory_space<vmem>>, vector<16xf32>,
      %broadcast_in_dim3A_40 = arith.constant 0.000000e+00 : f32
      %broadcast_in_dim3A_41 = vector.broadcast %broadcast_in_dim3A_40 : f32 to vector<16xf32>
      %swap3A_42 = arith.index_cast %add3A_26 : i32 to index
      %swap3A_43 = arith.constant 48 : index
      %swap3A_44 = tpu.vector_load %arg9[%swap3A_42, %swap3A_43] {strides = array<i32>} : memref<128x128xf32, #tpu.memory_space<vmem>>, vector<16xf32>,
      tpu.vector_store %arg9[%swap3A_42, %swap3A_43], %broadcast_in_dim3A_41 {strides = array<i32>} : memref<128x128xf32, #tpu.memory_space<vmem>>, vector<16xf32>,
      %broadcast_in_dim3A_45 = arith.constant 0.000000e+00 : f32
      %broadcast_in_dim3A_46 = vector.broadcast %broadcast_in_dim3A_45 : f32 to vector<16xf32>
      %swap3A_47 = arith.index_cast %add3A_26 : i32 to index
      %swap3A_48 = arith.constant 64 : index
      %swap3A_49 = tpu.vector_load %arg9[%swap3A_47, %swap3A_48] {strides = array<i32>} : memref<128x128xf32, #tpu.memory_space<vmem>>, vector<16xf32>,
      tpu.vector_store %arg9[%swap3A_47, %swap3A_48], %broadcast_in_dim3A_46 {strides = array<i32>} : memref<128x128xf32, #tpu.memory_space<vmem>>, vector<16xf32>,
      %broadcast_in_dim3A_50 = arith.constant 0.000000e+00 : f32
      %broadcast_in_dim3A_51 = vector.broadcast %broadcast_in_dim3A_50 : f32 to vector<16xf32>
      %swap3A_52 = arith.index_cast %add3A_26 : i32 to index
      %swap3A_53 = arith.constant 80 : index
      %swap3A_54 = tpu.vector_load %arg9[%swap3A_52, %swap3A_53] {strides = array<i32>} : memref<128x128xf32, #tpu.memory_space<vmem>>, vector<16xf32>,
      tpu.vector_store %arg9[%swap3A_52, %swap3A_53], %broadcast_in_dim3A_51 {strides = array<i32>} : memref<128x128xf32, #tpu.memory_space<vmem>>, vector<16xf32>,
      %broadcast_in_dim3A_55 = arith.constant 0.000000e+00 : f32
      %broadcast_in_dim3A_56 = vector.broadcast %broadcast_in_dim3A_55 : f32 to vector<16xf32>
      %swap3A_57 = arith.index_cast %add3A_26 : i32 to index
      %swap3A_58 = arith.constant 96 : index
      %swap3A_59 = tpu.vector_load %arg9[%swap3A_57, %swap3A_58] {strides = array<i32>} : memref<128x128xf32, #tpu.memory_space<vmem>>, vector<16xf32>,
      tpu.vector_store %arg9[%swap3A_57, %swap3A_58], %broadcast_in_dim3A_56 {strides = array<i32>} : memref<128x128xf32, #tpu.memory_space<vmem>>, vector<16xf32>,
      %broadcast_in_dim3A_60 = arith.constant 0.000000e+00 : f32
      %broadcast_in_dim3A_61 = vector.broadcast %broadcast_in_dim3A_60 : f32 to vector<16xf32>
      %swap3A_62 = arith.index_cast %add3A_26 : i32 to index
      %swap3A_63 = arith.constant 112 : index
      %swap3A_64 = tpu.vector_load %arg9[%swap3A_62, %swap3A_63] {strides = array<i32>} : memref<128x128xf32, #tpu.memory_space<vmem>>, vector<16xf32>,
      tpu.vector_store %arg9[%swap3A_62, %swap3A_63], %broadcast_in_dim3A_61 {strides = array<i32>} : memref<128x128xf32, #tpu.memory_space<vmem>>, vector<16xf32>,
    }
    %scan3A_3 = arith.constant 128 : i32
    %eq3A = arith.constant 0 : i32
    %eq3A_4 = arith.cmpi eq, %arg0, %eq3A : i32
    %convert_element_type3A = arith.extui %eq3A_4 : i1 to i32
    %cond3A = arith.constant 0 : i32
    %cond3A_5 = arith.cmpi ne, %convert_element_type3A, %cond3A : i32
    scf.if %cond3A_5 {
      %scan3A_23 = arith.constant 0 : i32
      %scan3A_24 = arith.constant 5 : i32
      %scan3A_25 = arith.addi %scan3A_23, %scan3A_24 : i32
      %scan3A_26 = arith.constant 1 : i32
      scf.for %scan3A_28 = %scan3A_23 to %scan3A_25 step %scan3A_26  : i32 {
        %mul3A_29 = arith.constant 1 : i32
        %mul3A_30 = arith.muli %scan3A_28, %mul3A_29 : i32
        %add3A = arith.constant 0 : i32
        %add3A_31 = arith.addi %add3A, %mul3A_30 : i32
        %mul3A_32 = arith.constant 640 : i32
        %mul3A_33 = arith.muli %arg1, %mul3A_32 : i32
        %mul3A_34 = arith.constant 128 : i32
        %mul3A_35 = arith.muli %add3A_31, %mul3A_34 : i32
        %add3A_36 = arith.addi %mul3A_33, %mul3A_35 : i32
        "tpu.region"() ({
          %run_scoped3A = tpu.sem_alloc : memref<!tpu.dma_semaphore, #tpu.memory_space<semaphore_mem>>
          %dma_start3A = arith.constant 0 : i32
          %dma_start3A_37 = tpu.memref_slice %arg10[%add3A_36, %dma_start3A] : memref<10240x128xf32, #tpu.memory_space<vmem_shared>> -> memref<128x128xf32, #tpu.memory_space<vmem_shared>>
          %dma_start3A_38 = arith.constant 0 : i32
          %dma_start3A_39 = tpu.memref_slice %arg10[%add3A_36, %dma_start3A_38] : memref<10240x128xf32, #tpu.memory_space<vmem_shared>> -> memref<128x128xf32, #tpu.memory_space<vmem_shared>>
          tpu.enqueue_dma source(%arg9 : memref<128x128xf32, #tpu.memory_space<vmem>>) target(%dma_start3A_39 : memref<128x128xf32, #tpu.memory_space<vmem_shared>>) target_semaphore(%run_scoped3A : memref<!tpu.dma_semaphore, #tpu.memory_space<semaphore_mem>>)
          %dma_wait3A = arith.constant 0 : i32
          %dma_wait3A_40 = tpu.memref_slice %arg10[%add3A_36, %dma_wait3A] : memref<10240x128xf32, #tpu.memory_space<vmem_shared>> -> memref<128x128xf32, #tpu.memory_space<vmem_shared>>
          %dma_wait3A_41 = arith.constant 0 : i32
          %dma_wait3A_42 = tpu.memref_slice %arg10[%add3A_36, %dma_wait3A_41] : memref<10240x128xf32, #tpu.memory_space<vmem_shared>> -> memref<128x128xf32, #tpu.memory_space<vmem_shared>>
          tpu.wait_dma2 semaphore(%run_scoped3A : memref<!tpu.dma_semaphore, #tpu.memory_space<semaphore_mem>>) src(%arg9 : memref<128x128xf32, #tpu.memory_space<vmem>>) dst(%dma_wait3A_42 : memref<128x128xf32, #tpu.memory_space<vmem_shared>>)
          tpu.yield
        }) : () -> ()
      }
      %scan3A_27 = arith.constant 5 : i32
    } else {
    }
    %scan3A_6 = arith.constant 0 : i32
    %scan3A_7 = arith.constant 128 : i32
    %scan3A_8 = arith.addi %scan3A_6, %scan3A_7 : i32
    %scan3A_9 = arith.constant 1 : i32
    scf.for %scan3A_23 = %scan3A_6 to %scan3A_8 step %scan3A_9  : i32 {
      %mul3A_24 = arith.constant 1 : i32
      %mul3A_25 = arith.muli %scan3A_23, %mul3A_24 : i32
      %add3A = arith.constant 0 : i32
      %add3A_26 = arith.addi %add3A, %mul3A_25 : i32
      %broadcast_in_dim3A = arith.constant 1.000000e+00 : f32
      %broadcast_in_dim3A_27 = vector.broadcast %broadcast_in_dim3A : f32 to vector<16xf32>
      %swap3A = arith.index_cast %add3A_26 : i32 to index
      %swap3A_28 = arith.constant 0 : index
      %swap3A_29 = tpu.vector_load %arg9[%swap3A, %swap3A_28] {strides = array<i32>} : memref<128x128xf32, #tpu.memory_space<vmem>>, vector<16xf32>,
      tpu.vector_store %arg9[%swap3A, %swap3A_28], %broadcast_in_dim3A_27 {strides = array<i32>} : memref<128x128xf32, #tpu.memory_space<vmem>>, vector<16xf32>,
      %broadcast_in_dim3A_30 = arith.constant 1.000000e+00 : f32
      %broadcast_in_dim3A_31 = vector.broadcast %broadcast_in_dim3A_30 : f32 to vector<16xf32>
      %swap3A_32 = arith.index_cast %add3A_26 : i32 to index
      %swap3A_33 = arith.constant 16 : index
      %swap3A_34 = tpu.vector_load %arg9[%swap3A_32, %swap3A_33] {strides = array<i32>} : memref<128x128xf32, #tpu.memory_space<vmem>>, vector<16xf32>,
      tpu.vector_store %arg9[%swap3A_32, %swap3A_33], %broadcast_in_dim3A_31 {strides = array<i32>} : memref<128x128xf32, #tpu.memory_space<vmem>>, vector<16xf32>,
      %broadcast_in_dim3A_35 = arith.constant 1.000000e+00 : f32
      %broadcast_in_dim3A_36 = vector.broadcast %broadcast_in_dim3A_35 : f32 to vector<16xf32>
      %swap3A_37 = arith.index_cast %add3A_26 : i32 to index
      %swap3A_38 = arith.constant 32 : index
      %swap3A_39 = tpu.vector_load %arg9[%swap3A_37, %swap3A_38] {strides = array<i32>} : memref<128x128xf32, #tpu.memory_space<vmem>>, vector<16xf32>,
      tpu.vector_store %arg9[%swap3A_37, %swap3A_38], %broadcast_in_dim3A_36 {strides = array<i32>} : memref<128x128xf32, #tpu.memory_space<vmem>>, vector<16xf32>,
      %broadcast_in_dim3A_40 = arith.constant 1.000000e+00 : f32
      %broadcast_in_dim3A_41 = vector.broadcast %broadcast_in_dim3A_40 : f32 to vector<16xf32>
      %swap3A_42 = arith.index_cast %add3A_26 : i32 to index
      %swap3A_43 = arith.constant 48 : index
      %swap3A_44 = tpu.vector_load %arg9[%swap3A_42, %swap3A_43] {strides = array<i32>} : memref<128x128xf32, #tpu.memory_space<vmem>>, vector<16xf32>,
      tpu.vector_store %arg9[%swap3A_42, %swap3A_43], %broadcast_in_dim3A_41 {strides = array<i32>} : memref<128x128xf32, #tpu.memory_space<vmem>>, vector<16xf32>,
      %broadcast_in_dim3A_45 = arith.constant 1.000000e+00 : f32
      %broadcast_in_dim3A_46 = vector.broadcast %broadcast_in_dim3A_45 : f32 to vector<16xf32>
      %swap3A_47 = arith.index_cast %add3A_26 : i32 to index
      %swap3A_48 = arith.constant 64 : index
      %swap3A_49 = tpu.vector_load %arg9[%swap3A_47, %swap3A_48] {strides = array<i32>} : memref<128x128xf32, #tpu.memory_space<vmem>>, vector<16xf32>,
      tpu.vector_store %arg9[%swap3A_47, %swap3A_48], %broadcast_in_dim3A_46 {strides = array<i32>} : memref<128x128xf32, #tpu.memory_space<vmem>>, vector<16xf32>,
      %broadcast_in_dim3A_50 = arith.constant 1.000000e+00 : f32
      %broadcast_in_dim3A_51 = vector.broadcast %broadcast_in_dim3A_50 : f32 to vector<16xf32>
      %swap3A_52 = arith.index_cast %add3A_26 : i32 to index
      %swap3A_53 = arith.constant 80 : index
      %swap3A_54 = tpu.vector_load %arg9[%swap3A_52, %swap3A_53] {strides = array<i32>} : memref<128x128xf32, #tpu.memory_space<vmem>>, vector<16xf32>,
      tpu.vector_store %arg9[%swap3A_52, %swap3A_53], %broadcast_in_dim3A_51 {strides = array<i32>} : memref<128x128xf32, #tpu.memory_space<vmem>>, vector<16xf32>,
      %broadcast_in_dim3A_55 = arith.constant 1.000000e+00 : f32
      %broadcast_in_dim3A_56 = vector.broadcast %broadcast_in_dim3A_55 : f32 to vector<16xf32>
      %swap3A_57 = arith.index_cast %add3A_26 : i32 to index
      %swap3A_58 = arith.constant 96 : index
      %swap3A_59 = tpu.vector_load %arg9[%swap3A_57, %swap3A_58] {strides = array<i32>} : memref<128x128xf32, #tpu.memory_space<vmem>>, vector<16xf32>,
      tpu.vector_store %arg9[%swap3A_57, %swap3A_58], %broadcast_in_dim3A_56 {strides = array<i32>} : memref<128x128xf32, #tpu.memory_space<vmem>>, vector<16xf32>,
      %broadcast_in_dim3A_60 = arith.constant 1.000000e+00 : f32
      %broadcast_in_dim3A_61 = vector.broadcast %broadcast_in_dim3A_60 : f32 to vector<16xf32>
      %swap3A_62 = arith.index_cast %add3A_26 : i32 to index
      %swap3A_63 = arith.constant 112 : index
      %swap3A_64 = tpu.vector_load %arg9[%swap3A_62, %swap3A_63] {strides = array<i32>} : memref<128x128xf32, #tpu.memory_space<vmem>>, vector<16xf32>,
      tpu.vector_store %arg9[%swap3A_62, %swap3A_63], %broadcast_in_dim3A_61 {strides = array<i32>} : memref<128x128xf32, #tpu.memory_space<vmem>>, vector<16xf32>,
    }
    %scan3A_10 = arith.constant 128 : i32
    %barrier3A = arith.constant 0 : index
    tpu.barrier barrier_id(%barrier3A)
    %mul3A = arith.constant 10112 : i32
    %mul3A_11 = arith.muli %arg1, %mul3A : i32
    %scan3A_12 = arith.constant 0 : i32
    %scan3A_13 = arith.constant 79 : i32
    %scan3A_14 = arith.addi %scan3A_12, %scan3A_13 : i32
    %scan3A_15 = arith.constant 1 : i32
    scf.for %scan3A_23 = %scan3A_12 to %scan3A_14 step %scan3A_15  : i32 {
      %mul3A_24 = arith.constant 1 : i32
      %mul3A_25 = arith.muli %scan3A_23, %mul3A_24 : i32
      %add3A = arith.constant 0 : i32
      %add3A_26 = arith.addi %add3A, %mul3A_25 : i32
      %mul3A_27 = arith.constant 128 : i32
      %mul3A_28 = arith.muli %add3A_26, %mul3A_27 : i32
      %add3A_29 = arith.addi %mul3A_11, %mul3A_28 : i32
      "tpu.region"() ({
        %run_scoped3A = tpu.sem_alloc : memref<!tpu.dma_semaphore, #tpu.memory_space<semaphore_mem>>
        %dma_start3A = tpu.memref_slice %arg2[%add3A_29] : memref<161792xi32, #tpu.memory_space<hbm>> -> memref<128xi32, #tpu.memory_space<hbm>>
        %dma_start3A_159 = tpu.memref_slice %arg2[%add3A_29] : memref<161792xi32, #tpu.memory_space<hbm>> -> memref<128xi32, #tpu.memory_space<hbm>>
        tpu.enqueue_dma source(%dma_start3A_159 : memref<128xi32, #tpu.memory_space<hbm>>) target(%arg6 : memref<128xi32, #tpu.memory_space<vmem>>) target_semaphore(%run_scoped3A : memref<!tpu.dma_semaphore, #tpu.memory_space<semaphore_mem>>)
        %dma_wait3A = tpu.memref_slice %arg2[%add3A_29] : memref<161792xi32, #tpu.memory_space<hbm>> -> memref<128xi32, #tpu.memory_space<hbm>>
        %dma_wait3A_160 = tpu.memref_slice %arg2[%add3A_29] : memref<161792xi32, #tpu.memory_space<hbm>> -> memref<128xi32, #tpu.memory_space<hbm>>
        tpu.wait_dma2 semaphore(%run_scoped3A : memref<!tpu.dma_semaphore, #tpu.memory_space<semaphore_mem>>) src(%dma_wait3A_160 : memref<128xi32, #tpu.memory_space<hbm>>) dst(%arg6 : memref<128xi32, #tpu.memory_space<vmem>>)
        tpu.yield
      }) : () -> ()
      "tpu.region"() ({
        %run_scoped3A = tpu.sem_alloc : memref<!tpu.dma_semaphore, #tpu.memory_space<semaphore_mem>>
        %dma_start3A = tpu.memref_slice %arg3[%add3A_29] : memref<161792xi32, #tpu.memory_space<hbm>> -> memref<128xi32, #tpu.memory_space<hbm>>
        %dma_start3A_159 = tpu.memref_slice %arg3[%add3A_29] : memref<161792xi32, #tpu.memory_space<hbm>> -> memref<128xi32, #tpu.memory_space<hbm>>
        tpu.enqueue_dma source(%dma_start3A_159 : memref<128xi32, #tpu.memory_space<hbm>>) target(%arg7 : memref<128xi32, #tpu.memory_space<vmem>>) target_semaphore(%run_scoped3A : memref<!tpu.dma_semaphore, #tpu.memory_space<semaphore_mem>>)
        %dma_wait3A = tpu.memref_slice %arg3[%add3A_29] : memref<161792xi32, #tpu.memory_space<hbm>> -> memref<128xi32, #tpu.memory_space<hbm>>
        %dma_wait3A_160 = tpu.memref_slice %arg3[%add3A_29] : memref<161792xi32, #tpu.memory_space<hbm>> -> memref<128xi32, #tpu.memory_space<hbm>>
        tpu.wait_dma2 semaphore(%run_scoped3A : memref<!tpu.dma_semaphore, #tpu.memory_space<semaphore_mem>>) src(%dma_wait3A_160 : memref<128xi32, #tpu.memory_space<hbm>>) dst(%arg7 : memref<128xi32, #tpu.memory_space<vmem>>)
        tpu.yield
      }) : () -> ()
      %get3A = arith.constant 0 : index
      %get3A_30 = tpu.vector_load %arg6[%get3A] {strides = array<i32>} : memref<128xi32, #tpu.memory_space<vmem>>, vector<16xi32>,
      %get3A_31 = arith.constant 0 : index
      %get3A_32 = tpu.vector_load %arg7[%get3A_31] {strides = array<i32>} : memref<128xi32, #tpu.memory_space<vmem>>, vector<16xi32>,
      %eq3A_33 = arith.cmpi eq, %get3A_30, %get3A_32 : vector<16xi32>
      %eq3A_34 = arith.constant 0 : i32
      %eq3A_35 = arith.cmpi eq, %arg0, %eq3A_34 : i32
      %convert_element_type3A_36 = arith.extui %eq3A_35 : i1 to i32
      %cond3A_37 = arith.constant 0 : i32
      %cond3A_38 = arith.cmpi ne, %convert_element_type3A_36, %cond3A_37 : i32
      scf.if %cond3A_38 {
        %jit3A = arith.constant 10000 : i32
        %broadcast_in_dim3A = vector.broadcast %jit3A : i32 to vector<16xi32>
        %select_n3A = arith.select %eq3A_33, %broadcast_in_dim3A, %get3A_30 : vector<16xi1>, vector<16xi32>
        %swap3A = arith.constant 0 : index
        %swap3A_159 = tpu.vector_load %arg8[%swap3A] {strides = array<i32>} : memref<128xi32, #tpu.memory_space<vmem>>, vector<16xi32>,
        tpu.vector_store %arg8[%swap3A], %select_n3A {strides = array<i32>} : memref<128xi32, #tpu.memory_space<vmem>>, vector<16xi32>,
      } else {
      }
      %eq3A_39 = arith.constant 1 : i32
      %eq3A_40 = arith.cmpi eq, %arg0, %eq3A_39 : i32
      %convert_element_type3A_41 = arith.extui %eq3A_40 : i1 to i32
      %cond3A_42 = arith.constant 0 : i32
      %cond3A_43 = arith.cmpi ne, %convert_element_type3A_41, %cond3A_42 : i32
      scf.if %cond3A_43 {
        %jit3A = arith.constant 10000 : i32
        %broadcast_in_dim3A = vector.broadcast %jit3A : i32 to vector<16xi32>
        %select_n3A = arith.select %eq3A_33, %broadcast_in_dim3A, %get3A_32 : vector<16xi1>, vector<16xi32>
        %swap3A = arith.constant 0 : index
        %swap3A_159 = tpu.vector_load %arg8[%swap3A] {strides = array<i32>} : memref<128xi32, #tpu.memory_space<vmem>>, vector<16xi32>,
        tpu.vector_store %arg8[%swap3A], %select_n3A {strides = array<i32>} : memref<128xi32, #tpu.memory_space<vmem>>, vector<16xi32>,
      } else {
      }
      %get3A_44 = arith.constant 16 : index
      %get3A_45 = tpu.vector_load %arg6[%get3A_44] {strides = array<i32>} : memref<128xi32, #tpu.memory_space<vmem>>, vector<16xi32>,
      %get3A_46 = arith.constant 16 : index
      %get3A_47 = tpu.vector_load %arg7[%get3A_46] {strides = array<i32>} : memref<128xi32, #tpu.memory_space<vmem>>, vector<16xi32>,
      %eq3A_48 = arith.cmpi eq, %get3A_45, %get3A_47 : vector<16xi32>
      %eq3A_49 = arith.constant 0 : i32
      %eq3A_50 = arith.cmpi eq, %arg0, %eq3A_49 : i32
      %convert_element_type3A_51 = arith.extui %eq3A_50 : i1 to i32
      %cond3A_52 = arith.constant 0 : i32
      %cond3A_53 = arith.cmpi ne, %convert_element_type3A_51, %cond3A_52 : i32
      scf.if %cond3A_53 {
        %jit3A = arith.constant 10000 : i32
        %broadcast_in_dim3A = vector.broadcast %jit3A : i32 to vector<16xi32>
        %select_n3A = arith.select %eq3A_48, %broadcast_in_dim3A, %get3A_45 : vector<16xi1>, vector<16xi32>
        %swap3A = arith.constant 16 : index
        %swap3A_159 = tpu.vector_load %arg8[%swap3A] {strides = array<i32>} : memref<128xi32, #tpu.memory_space<vmem>>, vector<16xi32>,
        tpu.vector_store %arg8[%swap3A], %select_n3A {strides = array<i32>} : memref<128xi32, #tpu.memory_space<vmem>>, vector<16xi32>,
      } else {
      }
      %eq3A_54 = arith.constant 1 : i32
      %eq3A_55 = arith.cmpi eq, %arg0, %eq3A_54 : i32
      %convert_element_type3A_56 = arith.extui %eq3A_55 : i1 to i32
      %cond3A_57 = arith.constant 0 : i32
      %cond3A_58 = arith.cmpi ne, %convert_element_type3A_56, %cond3A_57 : i32
      scf.if %cond3A_58 {
        %jit3A = arith.constant 10000 : i32
        %broadcast_in_dim3A = vector.broadcast %jit3A : i32 to vector<16xi32>
        %select_n3A = arith.select %eq3A_48, %broadcast_in_dim3A, %get3A_47 : vector<16xi1>, vector<16xi32>
        %swap3A = arith.constant 16 : index
        %swap3A_159 = tpu.vector_load %arg8[%swap3A] {strides = array<i32>} : memref<128xi32, #tpu.memory_space<vmem>>, vector<16xi32>,
        tpu.vector_store %arg8[%swap3A], %select_n3A {strides = array<i32>} : memref<128xi32, #tpu.memory_space<vmem>>, vector<16xi32>,
      } else {
      }
      %get3A_59 = arith.constant 32 : index
      %get3A_60 = tpu.vector_load %arg6[%get3A_59] {strides = array<i32>} : memref<128xi32, #tpu.memory_space<vmem>>, vector<16xi32>,
      %get3A_61 = arith.constant 32 : index
      %get3A_62 = tpu.vector_load %arg7[%get3A_61] {strides = array<i32>} : memref<128xi32, #tpu.memory_space<vmem>>, vector<16xi32>,
      %eq3A_63 = arith.cmpi eq, %get3A_60, %get3A_62 : vector<16xi32>
      %eq3A_64 = arith.constant 0 : i32
      %eq3A_65 = arith.cmpi eq, %arg0, %eq3A_64 : i32
      %convert_element_type3A_66 = arith.extui %eq3A_65 : i1 to i32
      %cond3A_67 = arith.constant 0 : i32
      %cond3A_68 = arith.cmpi ne, %convert_element_type3A_66, %cond3A_67 : i32
      scf.if %cond3A_68 {
        %jit3A = arith.constant 10000 : i32
        %broadcast_in_dim3A = vector.broadcast %jit3A : i32 to vector<16xi32>
        %select_n3A = arith.select %eq3A_63, %broadcast_in_dim3A, %get3A_60 : vector<16xi1>, vector<16xi32>
        %swap3A = arith.constant 32 : index
        %swap3A_159 = tpu.vector_load %arg8[%swap3A] {strides = array<i32>} : memref<128xi32, #tpu.memory_space<vmem>>, vector<16xi32>,
        tpu.vector_store %arg8[%swap3A], %select_n3A {strides = array<i32>} : memref<128xi32, #tpu.memory_space<vmem>>, vector<16xi32>,
      } else {
      }
      %eq3A_69 = arith.constant 1 : i32
      %eq3A_70 = arith.cmpi eq, %arg0, %eq3A_69 : i32
      %convert_element_type3A_71 = arith.extui %eq3A_70 : i1 to i32
      %cond3A_72 = arith.constant 0 : i32
      %cond3A_73 = arith.cmpi ne, %convert_element_type3A_71, %cond3A_72 : i32
      scf.if %cond3A_73 {
        %jit3A = arith.constant 10000 : i32
        %broadcast_in_dim3A = vector.broadcast %jit3A : i32 to vector<16xi32>
        %select_n3A = arith.select %eq3A_63, %broadcast_in_dim3A, %get3A_62 : vector<16xi1>, vector<16xi32>
        %swap3A = arith.constant 32 : index
        %swap3A_159 = tpu.vector_load %arg8[%swap3A] {strides = array<i32>} : memref<128xi32, #tpu.memory_space<vmem>>, vector<16xi32>,
        tpu.vector_store %arg8[%swap3A], %select_n3A {strides = array<i32>} : memref<128xi32, #tpu.memory_space<vmem>>, vector<16xi32>,
      } else {
      }
      %get3A_74 = arith.constant 48 : index
      %get3A_75 = tpu.vector_load %arg6[%get3A_74] {strides = array<i32>} : memref<128xi32, #tpu.memory_space<vmem>>, vector<16xi32>,
      %get3A_76 = arith.constant 48 : index
      %get3A_77 = tpu.vector_load %arg7[%get3A_76] {strides = array<i32>} : memref<128xi32, #tpu.memory_space<vmem>>, vector<16xi32>,
      %eq3A_78 = arith.cmpi eq, %get3A_75, %get3A_77 : vector<16xi32>
      %eq3A_79 = arith.constant 0 : i32
      %eq3A_80 = arith.cmpi eq, %arg0, %eq3A_79 : i32
      %convert_element_type3A_81 = arith.extui %eq3A_80 : i1 to i32
      %cond3A_82 = arith.constant 0 : i32
      %cond3A_83 = arith.cmpi ne, %convert_element_type3A_81, %cond3A_82 : i32
      scf.if %cond3A_83 {
        %jit3A = arith.constant 10000 : i32
        %broadcast_in_dim3A = vector.broadcast %jit3A : i32 to vector<16xi32>
        %select_n3A = arith.select %eq3A_78, %broadcast_in_dim3A, %get3A_75 : vector<16xi1>, vector<16xi32>
        %swap3A = arith.constant 48 : index
        %swap3A_159 = tpu.vector_load %arg8[%swap3A] {strides = array<i32>} : memref<128xi32, #tpu.memory_space<vmem>>, vector<16xi32>,
        tpu.vector_store %arg8[%swap3A], %select_n3A {strides = array<i32>} : memref<128xi32, #tpu.memory_space<vmem>>, vector<16xi32>,
      } else {
      }
      %eq3A_84 = arith.constant 1 : i32
      %eq3A_85 = arith.cmpi eq, %arg0, %eq3A_84 : i32
      %convert_element_type3A_86 = arith.extui %eq3A_85 : i1 to i32
      %cond3A_87 = arith.constant 0 : i32
      %cond3A_88 = arith.cmpi ne, %convert_element_type3A_86, %cond3A_87 : i32
      scf.if %cond3A_88 {
        %jit3A = arith.constant 10000 : i32
        %broadcast_in_dim3A = vector.broadcast %jit3A : i32 to vector<16xi32>
        %select_n3A = arith.select %eq3A_78, %broadcast_in_dim3A, %get3A_77 : vector<16xi1>, vector<16xi32>
        %swap3A = arith.constant 48 : index
        %swap3A_159 = tpu.vector_load %arg8[%swap3A] {strides = array<i32>} : memref<128xi32, #tpu.memory_space<vmem>>, vector<16xi32>,
        tpu.vector_store %arg8[%swap3A], %select_n3A {strides = array<i32>} : memref<128xi32, #tpu.memory_space<vmem>>, vector<16xi32>,
      } else {
      }
      %get3A_89 = arith.constant 64 : index
      %get3A_90 = tpu.vector_load %arg6[%get3A_89] {strides = array<i32>} : memref<128xi32, #tpu.memory_space<vmem>>, vector<16xi32>,
      %get3A_91 = arith.constant 64 : index
      %get3A_92 = tpu.vector_load %arg7[%get3A_91] {strides = array<i32>} : memref<128xi32, #tpu.memory_space<vmem>>, vector<16xi32>,
      %eq3A_93 = arith.cmpi eq, %get3A_90, %get3A_92 : vector<16xi32>
      %eq3A_94 = arith.constant 0 : i32
      %eq3A_95 = arith.cmpi eq, %arg0, %eq3A_94 : i32
      %convert_element_type3A_96 = arith.extui %eq3A_95 : i1 to i32
      %cond3A_97 = arith.constant 0 : i32
      %cond3A_98 = arith.cmpi ne, %convert_element_type3A_96, %cond3A_97 : i32
      scf.if %cond3A_98 {
        %jit3A = arith.constant 10000 : i32
        %broadcast_in_dim3A = vector.broadcast %jit3A : i32 to vector<16xi32>
        %select_n3A = arith.select %eq3A_93, %broadcast_in_dim3A, %get3A_90 : vector<16xi1>, vector<16xi32>
        %swap3A = arith.constant 64 : index
        %swap3A_159 = tpu.vector_load %arg8[%swap3A] {strides = array<i32>} : memref<128xi32, #tpu.memory_space<vmem>>, vector<16xi32>,
        tpu.vector_store %arg8[%swap3A], %select_n3A {strides = array<i32>} : memref<128xi32, #tpu.memory_space<vmem>>, vector<16xi32>,
      } else {
      }
      %eq3A_99 = arith.constant 1 : i32
      %eq3A_100 = arith.cmpi eq, %arg0, %eq3A_99 : i32
      %convert_element_type3A_101 = arith.extui %eq3A_100 : i1 to i32
      %cond3A_102 = arith.constant 0 : i32
      %cond3A_103 = arith.cmpi ne, %convert_element_type3A_101, %cond3A_102 : i32
      scf.if %cond3A_103 {
        %jit3A = arith.constant 10000 : i32
        %broadcast_in_dim3A = vector.broadcast %jit3A : i32 to vector<16xi32>
        %select_n3A = arith.select %eq3A_93, %broadcast_in_dim3A, %get3A_92 : vector<16xi1>, vector<16xi32>
        %swap3A = arith.constant 64 : index
        %swap3A_159 = tpu.vector_load %arg8[%swap3A] {strides = array<i32>} : memref<128xi32, #tpu.memory_space<vmem>>, vector<16xi32>,
        tpu.vector_store %arg8[%swap3A], %select_n3A {strides = array<i32>} : memref<128xi32, #tpu.memory_space<vmem>>, vector<16xi32>,
      } else {
      }
      %get3A_104 = arith.constant 80 : index
      %get3A_105 = tpu.vector_load %arg6[%get3A_104] {strides = array<i32>} : memref<128xi32, #tpu.memory_space<vmem>>, vector<16xi32>,
      %get3A_106 = arith.constant 80 : index
      %get3A_107 = tpu.vector_load %arg7[%get3A_106] {strides = array<i32>} : memref<128xi32, #tpu.memory_space<vmem>>, vector<16xi32>,
      %eq3A_108 = arith.cmpi eq, %get3A_105, %get3A_107 : vector<16xi32>
      %eq3A_109 = arith.constant 0 : i32
      %eq3A_110 = arith.cmpi eq, %arg0, %eq3A_109 : i32
      %convert_element_type3A_111 = arith.extui %eq3A_110 : i1 to i32
      %cond3A_112 = arith.constant 0 : i32
      %cond3A_113 = arith.cmpi ne, %convert_element_type3A_111, %cond3A_112 : i32
      scf.if %cond3A_113 {
        %jit3A = arith.constant 10000 : i32
        %broadcast_in_dim3A = vector.broadcast %jit3A : i32 to vector<16xi32>
        %select_n3A = arith.select %eq3A_108, %broadcast_in_dim3A, %get3A_105 : vector<16xi1>, vector<16xi32>
        %swap3A = arith.constant 80 : index
        %swap3A_159 = tpu.vector_load %arg8[%swap3A] {strides = array<i32>} : memref<128xi32, #tpu.memory_space<vmem>>, vector<16xi32>,
        tpu.vector_store %arg8[%swap3A], %select_n3A {strides = array<i32>} : memref<128xi32, #tpu.memory_space<vmem>>, vector<16xi32>,
      } else {
      }
      %eq3A_114 = arith.constant 1 : i32
      %eq3A_115 = arith.cmpi eq, %arg0, %eq3A_114 : i32
      %convert_element_type3A_116 = arith.extui %eq3A_115 : i1 to i32
      %cond3A_117 = arith.constant 0 : i32
      %cond3A_118 = arith.cmpi ne, %convert_element_type3A_116, %cond3A_117 : i32
      scf.if %cond3A_118 {
        %jit3A = arith.constant 10000 : i32
        %broadcast_in_dim3A = vector.broadcast %jit3A : i32 to vector<16xi32>
        %select_n3A = arith.select %eq3A_108, %broadcast_in_dim3A, %get3A_107 : vector<16xi1>, vector<16xi32>
        %swap3A = arith.constant 80 : index
        %swap3A_159 = tpu.vector_load %arg8[%swap3A] {strides = array<i32>} : memref<128xi32, #tpu.memory_space<vmem>>, vector<16xi32>,
        tpu.vector_store %arg8[%swap3A], %select_n3A {strides = array<i32>} : memref<128xi32, #tpu.memory_space<vmem>>, vector<16xi32>,
      } else {
      }
      %get3A_119 = arith.constant 96 : index
      %get3A_120 = tpu.vector_load %arg6[%get3A_119] {strides = array<i32>} : memref<128xi32, #tpu.memory_space<vmem>>, vector<16xi32>,
      %get3A_121 = arith.constant 96 : index
      %get3A_122 = tpu.vector_load %arg7[%get3A_121] {strides = array<i32>} : memref<128xi32, #tpu.memory_space<vmem>>, vector<16xi32>,
      %eq3A_123 = arith.cmpi eq, %get3A_120, %get3A_122 : vector<16xi32>
      %eq3A_124 = arith.constant 0 : i32
      %eq3A_125 = arith.cmpi eq, %arg0, %eq3A_124 : i32
      %convert_element_type3A_126 = arith.extui %eq3A_125 : i1 to i32
      %cond3A_127 = arith.constant 0 : i32
      %cond3A_128 = arith.cmpi ne, %convert_element_type3A_126, %cond3A_127 : i32
      scf.if %cond3A_128 {
        %jit3A = arith.constant 10000 : i32
        %broadcast_in_dim3A = vector.broadcast %jit3A : i32 to vector<16xi32>
        %select_n3A = arith.select %eq3A_123, %broadcast_in_dim3A, %get3A_120 : vector<16xi1>, vector<16xi32>
        %swap3A = arith.constant 96 : index
        %swap3A_159 = tpu.vector_load %arg8[%swap3A] {strides = array<i32>} : memref<128xi32, #tpu.memory_space<vmem>>, vector<16xi32>,
        tpu.vector_store %arg8[%swap3A], %select_n3A {strides = array<i32>} : memref<128xi32, #tpu.memory_space<vmem>>, vector<16xi32>,
      } else {
      }
      %eq3A_129 = arith.constant 1 : i32
      %eq3A_130 = arith.cmpi eq, %arg0, %eq3A_129 : i32
      %convert_element_type3A_131 = arith.extui %eq3A_130 : i1 to i32
      %cond3A_132 = arith.constant 0 : i32
      %cond3A_133 = arith.cmpi ne, %convert_element_type3A_131, %cond3A_132 : i32
      scf.if %cond3A_133 {
        %jit3A = arith.constant 10000 : i32
        %broadcast_in_dim3A = vector.broadcast %jit3A : i32 to vector<16xi32>
        %select_n3A = arith.select %eq3A_123, %broadcast_in_dim3A, %get3A_122 : vector<16xi1>, vector<16xi32>
        %swap3A = arith.constant 96 : index
        %swap3A_159 = tpu.vector_load %arg8[%swap3A] {strides = array<i32>} : memref<128xi32, #tpu.memory_space<vmem>>, vector<16xi32>,
        tpu.vector_store %arg8[%swap3A], %select_n3A {strides = array<i32>} : memref<128xi32, #tpu.memory_space<vmem>>, vector<16xi32>,
      } else {
      }
      %get3A_134 = arith.constant 112 : index
      %get3A_135 = tpu.vector_load %arg6[%get3A_134] {strides = array<i32>} : memref<128xi32, #tpu.memory_space<vmem>>, vector<16xi32>,
      %get3A_136 = arith.constant 112 : index
      %get3A_137 = tpu.vector_load %arg7[%get3A_136] {strides = array<i32>} : memref<128xi32, #tpu.memory_space<vmem>>, vector<16xi32>,
      %eq3A_138 = arith.cmpi eq, %get3A_135, %get3A_137 : vector<16xi32>
      %eq3A_139 = arith.constant 0 : i32
      %eq3A_140 = arith.cmpi eq, %arg0, %eq3A_139 : i32
      %convert_element_type3A_141 = arith.extui %eq3A_140 : i1 to i32
      %cond3A_142 = arith.constant 0 : i32
      %cond3A_143 = arith.cmpi ne, %convert_element_type3A_141, %cond3A_142 : i32
      scf.if %cond3A_143 {
        %jit3A = arith.constant 10000 : i32
        %broadcast_in_dim3A = vector.broadcast %jit3A : i32 to vector<16xi32>
        %select_n3A = arith.select %eq3A_138, %broadcast_in_dim3A, %get3A_135 : vector<16xi1>, vector<16xi32>
        %swap3A = arith.constant 112 : index
        %swap3A_159 = tpu.vector_load %arg8[%swap3A] {strides = array<i32>} : memref<128xi32, #tpu.memory_space<vmem>>, vector<16xi32>,
        tpu.vector_store %arg8[%swap3A], %select_n3A {strides = array<i32>} : memref<128xi32, #tpu.memory_space<vmem>>, vector<16xi32>,
      } else {
      }
      %eq3A_144 = arith.constant 1 : i32
      %eq3A_145 = arith.cmpi eq, %arg0, %eq3A_144 : i32
      %convert_element_type3A_146 = arith.extui %eq3A_145 : i1 to i32
      %cond3A_147 = arith.constant 0 : i32
      %cond3A_148 = arith.cmpi ne, %convert_element_type3A_146, %cond3A_147 : i32
      scf.if %cond3A_148 {
        %jit3A = arith.constant 10000 : i32
        %broadcast_in_dim3A = vector.broadcast %jit3A : i32 to vector<16xi32>
        %select_n3A = arith.select %eq3A_138, %broadcast_in_dim3A, %get3A_137 : vector<16xi1>, vector<16xi32>
        %swap3A = arith.constant 112 : index
        %swap3A_159 = tpu.vector_load %arg8[%swap3A] {strides = array<i32>} : memref<128xi32, #tpu.memory_space<vmem>>, vector<16xi32>,
        tpu.vector_store %arg8[%swap3A], %select_n3A {strides = array<i32>} : memref<128xi32, #tpu.memory_space<vmem>>, vector<16xi32>,
      } else {
      }
      %eq3A_149 = arith.constant 0 : i32
      %eq3A_150 = arith.cmpi eq, %arg0, %eq3A_149 : i32
      %convert_element_type3A_151 = arith.extui %eq3A_150 : i1 to i32
      %cond3A_152 = arith.constant 0 : i32
      %cond3A_153 = arith.cmpi ne, %convert_element_type3A_151, %cond3A_152 : i32
      scf.if %cond3A_153 {
        "tpu.region"() ({
          %run_scoped3A = tpu.sem_alloc : memref<!tpu.dma_semaphore, #tpu.memory_space<semaphore_mem>>
          %dma_start3A = arith.constant 0 : i32
          %dma_start3A_159 = arith.constant 0 : i32
          %dma_start3A_160 = tpu.memref_slice %arg10[%dma_start3A, %dma_start3A_159] : memref<10240x128xf32, #tpu.memory_space<vmem_shared>> -> memref<10240x128xf32, #tpu.memory_space<vmem_shared>>
          tpu.enqueue_indirect_dma source(%arg9 : memref<128x128xf32, #tpu.memory_space<vmem>>) target(%dma_start3A_160 : memref<10240x128xf32, #tpu.memory_space<vmem_shared>>) offsets(%arg8 : memref<128xi32, #tpu.memory_space<vmem>>) semaphore(%run_scoped3A : memref<!tpu.dma_semaphore, #tpu.memory_space<semaphore_mem>>) {add = true}
          %dma_wait3A = arith.constant 0 : i32
          %dma_wait3A_161 = arith.constant 0 : i32
          %dma_wait3A_162 = tpu.memref_slice %arg10[%dma_wait3A, %dma_wait3A_161] : memref<10240x128xf32, #tpu.memory_space<vmem_shared>> -> memref<10240x128xf32, #tpu.memory_space<vmem_shared>>
          tpu.wait_indirect_dma semaphore(%run_scoped3A : memref<!tpu.dma_semaphore, #tpu.memory_space<semaphore_mem>>) src(%arg9 : memref<128x128xf32, #tpu.memory_space<vmem>>) dst(%dma_wait3A_162 : memref<10240x128xf32, #tpu.memory_space<vmem_shared>>)
          tpu.yield
        }) : () -> ()
      } else {
      }
      %eq3A_154 = arith.constant 1 : i32
      %eq3A_155 = arith.cmpi eq, %arg0, %eq3A_154 : i32
      %convert_element_type3A_156 = arith.extui %eq3A_155 : i1 to i32
      %cond3A_157 = arith.constant 0 : i32
      %cond3A_158 = arith.cmpi ne, %convert_element_type3A_156, %cond3A_157 : i32
      scf.if %cond3A_158 {
        "tpu.region"() ({
          %run_scoped3A = tpu.sem_alloc : memref<!tpu.dma_semaphore, #tpu.memory_space<semaphore_mem>>
          %dma_start3A = tpu.memref_slice %arg5[%add3A_29] : memref<161792xi32, #tpu.memory_space<hbm>> -> memref<128xi32, #tpu.memory_space<hbm>>
          %dma_start3A_159 = tpu.memref_slice %arg5[%add3A_29] : memref<161792xi32, #tpu.memory_space<hbm>> -> memref<128xi32, #tpu.memory_space<hbm>>
          tpu.enqueue_dma source(%arg8 : memref<128xi32, #tpu.memory_space<vmem>>) target(%dma_start3A_159 : memref<128xi32, #tpu.memory_space<hbm>>) target_semaphore(%run_scoped3A : memref<!tpu.dma_semaphore, #tpu.memory_space<semaphore_mem>>)
          %dma_wait3A = tpu.memref_slice %arg5[%add3A_29] : memref<161792xi32, #tpu.memory_space<hbm>> -> memref<128xi32, #tpu.memory_space<hbm>>
          %dma_wait3A_160 = tpu.memref_slice %arg5[%add3A_29] : memref<161792xi32, #tpu.memory_space<hbm>> -> memref<128xi32, #tpu.memory_space<hbm>>
          tpu.wait_dma2 semaphore(%run_scoped3A : memref<!tpu.dma_semaphore, #tpu.memory_space<semaphore_mem>>) src(%arg8 : memref<128xi32, #tpu.memory_space<vmem>>) dst(%dma_wait3A_160 : memref<128xi32, #tpu.memory_space<hbm>>)
          tpu.yield
        }) : () -> ()
      } else {
      }
    }
    %scan3A_16 = arith.constant 79 : i32
    %barrier3A_17 = arith.constant 0 : index
    tpu.barrier barrier_id(%barrier3A_17)
    %eq3A_18 = arith.constant 0 : i32
    %eq3A_19 = arith.cmpi eq, %arg0, %eq3A_18 : i32
    %convert_element_type3A_20 = arith.extui %eq3A_19 : i1 to i32
    %cond3A_21 = arith.constant 0 : i32
    %cond3A_22 = arith.cmpi ne, %convert_element_type3A_20, %cond3A_21 : i32
    scf.if %cond3A_22 {
      %mul3A_23 = arith.constant 640 : i32
      %mul3A_24 = arith.muli %arg1, %mul3A_23 : i32
      %mul3A_25 = arith.constant 640 : i32
      %mul3A_26 = arith.muli %arg1, %mul3A_25 : i32
      "tpu.region"() ({
        %run_scoped3A = tpu.sem_alloc : memref<!tpu.dma_semaphore, #tpu.memory_space<semaphore_mem>>
        %dma_start3A = arith.constant 0 : i32
        %dma_start3A_27 = tpu.memref_slice %arg4[%mul3A_26, %dma_start3A] : memref<10240x128xf32, #tpu.memory_space<hbm>> -> memref<640x128xf32, #tpu.memory_space<hbm>>
        %dma_start3A_28 = arith.constant 0 : i32
        %dma_start3A_29 = tpu.memref_slice %arg10[%mul3A_24, %dma_start3A_28] : memref<10240x128xf32, #tpu.memory_space<vmem_shared>> -> memref<640x128xf32, #tpu.memory_space<vmem_shared>>
        tpu.enqueue_dma source(%dma_start3A_29 : memref<640x128xf32, #tpu.memory_space<vmem_shared>>) target(%dma_start3A_27 : memref<640x128xf32, #tpu.memory_space<hbm>>) target_semaphore(%run_scoped3A : memref<!tpu.dma_semaphore, #tpu.memory_space<semaphore_mem>>)
        %dma_wait3A = arith.constant 0 : i32
        %dma_wait3A_30 = tpu.memref_slice %arg4[%mul3A_26, %dma_wait3A] : memref<10240x128xf32, #tpu.memory_space<hbm>> -> memref<640x128xf32, #tpu.memory_space<hbm>>
        %dma_wait3A_31 = arith.constant 0 : i32
        %dma_wait3A_32 = tpu.memref_slice %arg10[%mul3A_24, %dma_wait3A_31] : memref<10240x128xf32, #tpu.memory_space<vmem_shared>> -> memref<640x128xf32, #tpu.memory_space<vmem_shared>>
        tpu.wait_dma2 semaphore(%run_scoped3A : memref<!tpu.dma_semaphore, #tpu.memory_space<semaphore_mem>>) src(%dma_wait3A_32 : memref<640x128xf32, #tpu.memory_space<vmem_shared>>) dst(%dma_wait3A_30 : memref<640x128xf32, #tpu.memory_space<hbm>>)
        tpu.yield
      }) : () -> ()
    } else {
    }
    return
  }
}

#map = affine_map<(d0, d1) -> (0, 0)>
#map1 = affine_map<(d0, d1) -> (0)>
module attributes {stable_mosaic.version = 14 : i64} {
  func.func @k(%arg0: i32, %arg1: i32, %arg2: memref<10000x128xf32, #tpu.memory_space<hbm>>, %arg3: memref<10000x128xf32, #tpu.memory_space<hbm>>, %arg4: memref<161792xi32, #tpu.memory_space<hbm>>, %arg5: memref<161792xi32, #tpu.memory_space<hbm>>, %arg6: memref<10240x128xf32, #tpu.memory_space<hbm>>, %arg7: memref<10240x128xf32, #tpu.memory_space<hbm>>, %arg8: memref<128xi32, #tpu.memory_space<vmem>>, %arg9: memref<128xi32, #tpu.memory_space<vmem>>, %arg10: memref<128x128xf32, #tpu.memory_space<vmem>>, %arg11: memref<10240x128xf32, #tpu.memory_space<vmem_shared>>, %arg12: memref<!tpu.dma_semaphore, #tpu.memory_space<semaphore_mem>>) attributes {dimension_semantics = [#tpu.dimension_semantics<core_parallel>, #tpu.dimension_semantics<subcore_parallel>], iteration_bounds = array<i64: 2, 16>, scalar_prefetch = 0 : i64, scratch_operands = 5 : i64, tpu.core_type = #tpu.core_type<sc_vector_subcore>, window_params = [{transform_indices = #map}, {transform_indices = #map}, {transform_indices = #map1}, {transform_indices = #map1}, {transform_indices = #map}, {transform_indices = #map}]} {
    %scan3A = arith.constant 0 : i32
    %scan3A_0 = arith.constant 128 : i32
    %scan3A_1 = arith.addi %scan3A, %scan3A_0 : i32
    %scan3A_2 = arith.constant 1 : i32
    scf.for %scan3A_23 = %scan3A to %scan3A_1 step %scan3A_2  : i32 {
      %mul3A_24 = arith.constant 1 : i32
      %mul3A_25 = arith.muli %scan3A_23, %mul3A_24 : i32
      %add3A = arith.constant 0 : i32
      %add3A_26 = arith.addi %add3A, %mul3A_25 : i32
      %broadcast_in_dim3A = arith.constant 0.000000e+00 : f32
      %broadcast_in_dim3A_27 = vector.broadcast %broadcast_in_dim3A : f32 to vector<16xf32>
      %swap3A = arith.index_cast %add3A_26 : i32 to index
      %swap3A_28 = arith.constant 0 : index
      %swap3A_29 = tpu.vector_load %arg10[%swap3A, %swap3A_28] {strides = array<i32>} : memref<128x128xf32, #tpu.memory_space<vmem>>, vector<16xf32>,
      tpu.vector_store %arg10[%swap3A, %swap3A_28], %broadcast_in_dim3A_27 {strides = array<i32>} : memref<128x128xf32, #tpu.memory_space<vmem>>, vector<16xf32>,
      %broadcast_in_dim3A_30 = arith.constant 0.000000e+00 : f32
      %broadcast_in_dim3A_31 = vector.broadcast %broadcast_in_dim3A_30 : f32 to vector<16xf32>
      %swap3A_32 = arith.index_cast %add3A_26 : i32 to index
      %swap3A_33 = arith.constant 16 : index
      %swap3A_34 = tpu.vector_load %arg10[%swap3A_32, %swap3A_33] {strides = array<i32>} : memref<128x128xf32, #tpu.memory_space<vmem>>, vector<16xf32>,
      tpu.vector_store %arg10[%swap3A_32, %swap3A_33], %broadcast_in_dim3A_31 {strides = array<i32>} : memref<128x128xf32, #tpu.memory_space<vmem>>, vector<16xf32>,
      %broadcast_in_dim3A_35 = arith.constant 0.000000e+00 : f32
      %broadcast_in_dim3A_36 = vector.broadcast %broadcast_in_dim3A_35 : f32 to vector<16xf32>
      %swap3A_37 = arith.index_cast %add3A_26 : i32 to index
      %swap3A_38 = arith.constant 32 : index
      %swap3A_39 = tpu.vector_load %arg10[%swap3A_37, %swap3A_38] {strides = array<i32>} : memref<128x128xf32, #tpu.memory_space<vmem>>, vector<16xf32>,
      tpu.vector_store %arg10[%swap3A_37, %swap3A_38], %broadcast_in_dim3A_36 {strides = array<i32>} : memref<128x128xf32, #tpu.memory_space<vmem>>, vector<16xf32>,
      %broadcast_in_dim3A_40 = arith.constant 0.000000e+00 : f32
      %broadcast_in_dim3A_41 = vector.broadcast %broadcast_in_dim3A_40 : f32 to vector<16xf32>
      %swap3A_42 = arith.index_cast %add3A_26 : i32 to index
      %swap3A_43 = arith.constant 48 : index
      %swap3A_44 = tpu.vector_load %arg10[%swap3A_42, %swap3A_43] {strides = array<i32>} : memref<128x128xf32, #tpu.memory_space<vmem>>, vector<16xf32>,
      tpu.vector_store %arg10[%swap3A_42, %swap3A_43], %broadcast_in_dim3A_41 {strides = array<i32>} : memref<128x128xf32, #tpu.memory_space<vmem>>, vector<16xf32>,
      %broadcast_in_dim3A_45 = arith.constant 0.000000e+00 : f32
      %broadcast_in_dim3A_46 = vector.broadcast %broadcast_in_dim3A_45 : f32 to vector<16xf32>
      %swap3A_47 = arith.index_cast %add3A_26 : i32 to index
      %swap3A_48 = arith.constant 64 : index
      %swap3A_49 = tpu.vector_load %arg10[%swap3A_47, %swap3A_48] {strides = array<i32>} : memref<128x128xf32, #tpu.memory_space<vmem>>, vector<16xf32>,
      tpu.vector_store %arg10[%swap3A_47, %swap3A_48], %broadcast_in_dim3A_46 {strides = array<i32>} : memref<128x128xf32, #tpu.memory_space<vmem>>, vector<16xf32>,
      %broadcast_in_dim3A_50 = arith.constant 0.000000e+00 : f32
      %broadcast_in_dim3A_51 = vector.broadcast %broadcast_in_dim3A_50 : f32 to vector<16xf32>
      %swap3A_52 = arith.index_cast %add3A_26 : i32 to index
      %swap3A_53 = arith.constant 80 : index
      %swap3A_54 = tpu.vector_load %arg10[%swap3A_52, %swap3A_53] {strides = array<i32>} : memref<128x128xf32, #tpu.memory_space<vmem>>, vector<16xf32>,
      tpu.vector_store %arg10[%swap3A_52, %swap3A_53], %broadcast_in_dim3A_51 {strides = array<i32>} : memref<128x128xf32, #tpu.memory_space<vmem>>, vector<16xf32>,
      %broadcast_in_dim3A_55 = arith.constant 0.000000e+00 : f32
      %broadcast_in_dim3A_56 = vector.broadcast %broadcast_in_dim3A_55 : f32 to vector<16xf32>
      %swap3A_57 = arith.index_cast %add3A_26 : i32 to index
      %swap3A_58 = arith.constant 96 : index
      %swap3A_59 = tpu.vector_load %arg10[%swap3A_57, %swap3A_58] {strides = array<i32>} : memref<128x128xf32, #tpu.memory_space<vmem>>, vector<16xf32>,
      tpu.vector_store %arg10[%swap3A_57, %swap3A_58], %broadcast_in_dim3A_56 {strides = array<i32>} : memref<128x128xf32, #tpu.memory_space<vmem>>, vector<16xf32>,
      %broadcast_in_dim3A_60 = arith.constant 0.000000e+00 : f32
      %broadcast_in_dim3A_61 = vector.broadcast %broadcast_in_dim3A_60 : f32 to vector<16xf32>
      %swap3A_62 = arith.index_cast %add3A_26 : i32 to index
      %swap3A_63 = arith.constant 112 : index
      %swap3A_64 = tpu.vector_load %arg10[%swap3A_62, %swap3A_63] {strides = array<i32>} : memref<128x128xf32, #tpu.memory_space<vmem>>, vector<16xf32>,
      tpu.vector_store %arg10[%swap3A_62, %swap3A_63], %broadcast_in_dim3A_61 {strides = array<i32>} : memref<128x128xf32, #tpu.memory_space<vmem>>, vector<16xf32>,
    }
    %scan3A_3 = arith.constant 128 : i32
    %scan3A_4 = arith.constant 0 : i32
    %scan3A_5 = arith.constant 5 : i32
    %scan3A_6 = arith.addi %scan3A_4, %scan3A_5 : i32
    %scan3A_7 = arith.constant 1 : i32
    scf.for %scan3A_23 = %scan3A_4 to %scan3A_6 step %scan3A_7  : i32 {
      %mul3A_24 = arith.constant 1 : i32
      %mul3A_25 = arith.muli %scan3A_23, %mul3A_24 : i32
      %add3A = arith.constant 0 : i32
      %add3A_26 = arith.addi %add3A, %mul3A_25 : i32
      %mul3A_27 = arith.constant 640 : i32
      %mul3A_28 = arith.muli %arg1, %mul3A_27 : i32
      %mul3A_29 = arith.constant 128 : i32
      %mul3A_30 = arith.muli %add3A_26, %mul3A_29 : i32
      %add3A_31 = arith.addi %mul3A_28, %mul3A_30 : i32
      "tpu.region"() ({
        %run_scoped3A = tpu.sem_alloc : memref<!tpu.dma_semaphore, #tpu.memory_space<semaphore_mem>>
        %dma_start3A = arith.constant 0 : i32
        %dma_start3A_32 = tpu.memref_slice %arg11[%add3A_31, %dma_start3A] : memref<10240x128xf32, #tpu.memory_space<vmem_shared>> -> memref<128x128xf32, #tpu.memory_space<vmem_shared>>
        %dma_start3A_33 = arith.constant 0 : i32
        %dma_start3A_34 = tpu.memref_slice %arg11[%add3A_31, %dma_start3A_33] : memref<10240x128xf32, #tpu.memory_space<vmem_shared>> -> memref<128x128xf32, #tpu.memory_space<vmem_shared>>
        tpu.enqueue_dma source(%arg10 : memref<128x128xf32, #tpu.memory_space<vmem>>) target(%dma_start3A_34 : memref<128x128xf32, #tpu.memory_space<vmem_shared>>) target_semaphore(%run_scoped3A : memref<!tpu.dma_semaphore, #tpu.memory_space<semaphore_mem>>)
        %dma_wait3A = arith.constant 0 : i32
        %dma_wait3A_35 = tpu.memref_slice %arg11[%add3A_31, %dma_wait3A] : memref<10240x128xf32, #tpu.memory_space<vmem_shared>> -> memref<128x128xf32, #tpu.memory_space<vmem_shared>>
        %dma_wait3A_36 = arith.constant 0 : i32
        %dma_wait3A_37 = tpu.memref_slice %arg11[%add3A_31, %dma_wait3A_36] : memref<10240x128xf32, #tpu.memory_space<vmem_shared>> -> memref<128x128xf32, #tpu.memory_space<vmem_shared>>
        tpu.wait_dma2 semaphore(%run_scoped3A : memref<!tpu.dma_semaphore, #tpu.memory_space<semaphore_mem>>) src(%arg10 : memref<128x128xf32, #tpu.memory_space<vmem>>) dst(%dma_wait3A_37 : memref<128x128xf32, #tpu.memory_space<vmem_shared>>)
        tpu.yield
      }) : () -> ()
    }
    %scan3A_8 = arith.constant 5 : i32
    %barrier3A = arith.constant 0 : index
    tpu.barrier barrier_id(%barrier3A)
    %mul3A = arith.constant 10112 : i32
    %mul3A_9 = arith.muli %arg1, %mul3A : i32
    %scan3A_10 = arith.constant 0 : i32
    %scan3A_11 = arith.constant 79 : i32
    %scan3A_12 = arith.addi %scan3A_10, %scan3A_11 : i32
    %scan3A_13 = arith.constant 1 : i32
    scf.for %scan3A_23 = %scan3A_10 to %scan3A_12 step %scan3A_13  : i32 {
      %mul3A_24 = arith.constant 1 : i32
      %mul3A_25 = arith.muli %scan3A_23, %mul3A_24 : i32
      %add3A = arith.constant 0 : i32
      %add3A_26 = arith.addi %add3A, %mul3A_25 : i32
      %mul3A_27 = arith.constant 128 : i32
      %mul3A_28 = arith.muli %add3A_26, %mul3A_27 : i32
      %add3A_29 = arith.addi %mul3A_9, %mul3A_28 : i32
      "tpu.region"() ({
        %run_scoped3A = tpu.sem_alloc : memref<!tpu.dma_semaphore, #tpu.memory_space<semaphore_mem>>
        %dma_start3A = tpu.memref_slice %arg4[%add3A_29] : memref<161792xi32, #tpu.memory_space<hbm>> -> memref<128xi32, #tpu.memory_space<hbm>>
        %dma_start3A_40 = tpu.memref_slice %arg4[%add3A_29] : memref<161792xi32, #tpu.memory_space<hbm>> -> memref<128xi32, #tpu.memory_space<hbm>>
        tpu.enqueue_dma source(%dma_start3A_40 : memref<128xi32, #tpu.memory_space<hbm>>) target(%arg8 : memref<128xi32, #tpu.memory_space<vmem>>) target_semaphore(%run_scoped3A : memref<!tpu.dma_semaphore, #tpu.memory_space<semaphore_mem>>)
        %dma_wait3A = tpu.memref_slice %arg4[%add3A_29] : memref<161792xi32, #tpu.memory_space<hbm>> -> memref<128xi32, #tpu.memory_space<hbm>>
        %dma_wait3A_41 = tpu.memref_slice %arg4[%add3A_29] : memref<161792xi32, #tpu.memory_space<hbm>> -> memref<128xi32, #tpu.memory_space<hbm>>
        tpu.wait_dma2 semaphore(%run_scoped3A : memref<!tpu.dma_semaphore, #tpu.memory_space<semaphore_mem>>) src(%dma_wait3A_41 : memref<128xi32, #tpu.memory_space<hbm>>) dst(%arg8 : memref<128xi32, #tpu.memory_space<vmem>>)
        tpu.yield
      }) : () -> ()
      "tpu.region"() ({
        %run_scoped3A = tpu.sem_alloc : memref<!tpu.dma_semaphore, #tpu.memory_space<semaphore_mem>>
        %dma_start3A = tpu.memref_slice %arg5[%add3A_29] : memref<161792xi32, #tpu.memory_space<hbm>> -> memref<128xi32, #tpu.memory_space<hbm>>
        %dma_start3A_40 = tpu.memref_slice %arg5[%add3A_29] : memref<161792xi32, #tpu.memory_space<hbm>> -> memref<128xi32, #tpu.memory_space<hbm>>
        tpu.enqueue_dma source(%dma_start3A_40 : memref<128xi32, #tpu.memory_space<hbm>>) target(%arg9 : memref<128xi32, #tpu.memory_space<vmem>>) target_semaphore(%run_scoped3A : memref<!tpu.dma_semaphore, #tpu.memory_space<semaphore_mem>>)
        %dma_wait3A = tpu.memref_slice %arg5[%add3A_29] : memref<161792xi32, #tpu.memory_space<hbm>> -> memref<128xi32, #tpu.memory_space<hbm>>
        %dma_wait3A_41 = tpu.memref_slice %arg5[%add3A_29] : memref<161792xi32, #tpu.memory_space<hbm>> -> memref<128xi32, #tpu.memory_space<hbm>>
        tpu.wait_dma2 semaphore(%run_scoped3A : memref<!tpu.dma_semaphore, #tpu.memory_space<semaphore_mem>>) src(%dma_wait3A_41 : memref<128xi32, #tpu.memory_space<hbm>>) dst(%arg9 : memref<128xi32, #tpu.memory_space<vmem>>)
        tpu.yield
      }) : () -> ()
      %eq3A_30 = arith.constant 0 : i32
      %eq3A_31 = arith.cmpi eq, %arg0, %eq3A_30 : i32
      %convert_element_type3A_32 = arith.extui %eq3A_31 : i1 to i32
      %cond3A_33 = arith.constant 0 : i32
      %cond3A_34 = arith.cmpi ne, %convert_element_type3A_32, %cond3A_33 : i32
      scf.if %cond3A_34 {
        %dma_start3A = arith.constant 0 : i32
        %dma_start3A_40 = arith.constant 0 : i32
        %dma_start3A_41 = tpu.memref_slice %arg2[%dma_start3A, %dma_start3A_40] : memref<10000x128xf32, #tpu.memory_space<hbm>> -> memref<10000x128xf32, #tpu.memory_space<hbm>>
        tpu.enqueue_indirect_dma source(%dma_start3A_41 : memref<10000x128xf32, #tpu.memory_space<hbm>>) target(%arg10 : memref<128x128xf32, #tpu.memory_space<vmem>>) offsets(%arg8 : memref<128xi32, #tpu.memory_space<vmem>>) semaphore(%arg12 : memref<!tpu.dma_semaphore, #tpu.memory_space<semaphore_mem>>)
        %dma_wait3A = arith.constant 0 : i32
        %dma_wait3A_42 = arith.constant 0 : i32
        %dma_wait3A_43 = tpu.memref_slice %arg2[%dma_wait3A, %dma_wait3A_42] : memref<10000x128xf32, #tpu.memory_space<hbm>> -> memref<10000x128xf32, #tpu.memory_space<hbm>>
        tpu.wait_indirect_dma semaphore(%arg12 : memref<!tpu.dma_semaphore, #tpu.memory_space<semaphore_mem>>) src(%dma_wait3A_43 : memref<10000x128xf32, #tpu.memory_space<hbm>>) dst(%arg10 : memref<128x128xf32, #tpu.memory_space<vmem>>)
      } else {
      }
      %eq3A_35 = arith.constant 1 : i32
      %eq3A_36 = arith.cmpi eq, %arg0, %eq3A_35 : i32
      %convert_element_type3A_37 = arith.extui %eq3A_36 : i1 to i32
      %cond3A_38 = arith.constant 0 : i32
      %cond3A_39 = arith.cmpi ne, %convert_element_type3A_37, %cond3A_38 : i32
      scf.if %cond3A_39 {
        %dma_start3A = arith.constant 0 : i32
        %dma_start3A_40 = arith.constant 0 : i32
        %dma_start3A_41 = tpu.memref_slice %arg3[%dma_start3A, %dma_start3A_40] : memref<10000x128xf32, #tpu.memory_space<hbm>> -> memref<10000x128xf32, #tpu.memory_space<hbm>>
        tpu.enqueue_indirect_dma source(%dma_start3A_41 : memref<10000x128xf32, #tpu.memory_space<hbm>>) target(%arg10 : memref<128x128xf32, #tpu.memory_space<vmem>>) offsets(%arg8 : memref<128xi32, #tpu.memory_space<vmem>>) semaphore(%arg12 : memref<!tpu.dma_semaphore, #tpu.memory_space<semaphore_mem>>)
        %dma_wait3A = arith.constant 0 : i32
        %dma_wait3A_42 = arith.constant 0 : i32
        %dma_wait3A_43 = tpu.memref_slice %arg3[%dma_wait3A, %dma_wait3A_42] : memref<10000x128xf32, #tpu.memory_space<hbm>> -> memref<10000x128xf32, #tpu.memory_space<hbm>>
        tpu.wait_indirect_dma semaphore(%arg12 : memref<!tpu.dma_semaphore, #tpu.memory_space<semaphore_mem>>) src(%dma_wait3A_43 : memref<10000x128xf32, #tpu.memory_space<hbm>>) dst(%arg10 : memref<128x128xf32, #tpu.memory_space<vmem>>)
      } else {
      }
      "tpu.region"() ({
        %run_scoped3A = tpu.sem_alloc : memref<!tpu.dma_semaphore, #tpu.memory_space<semaphore_mem>>
        %dma_start3A = arith.constant 0 : i32
        %dma_start3A_40 = arith.constant 0 : i32
        %dma_start3A_41 = tpu.memref_slice %arg11[%dma_start3A, %dma_start3A_40] : memref<10240x128xf32, #tpu.memory_space<vmem_shared>> -> memref<10240x128xf32, #tpu.memory_space<vmem_shared>>
        tpu.enqueue_indirect_dma source(%arg10 : memref<128x128xf32, #tpu.memory_space<vmem>>) target(%dma_start3A_41 : memref<10240x128xf32, #tpu.memory_space<vmem_shared>>) offsets(%arg9 : memref<128xi32, #tpu.memory_space<vmem>>) semaphore(%run_scoped3A : memref<!tpu.dma_semaphore, #tpu.memory_space<semaphore_mem>>) {add = true}
        %dma_wait3A = arith.constant 0 : i32
        %dma_wait3A_42 = arith.constant 0 : i32
        %dma_wait3A_43 = tpu.memref_slice %arg11[%dma_wait3A, %dma_wait3A_42] : memref<10240x128xf32, #tpu.memory_space<vmem_shared>> -> memref<10240x128xf32, #tpu.memory_space<vmem_shared>>
        tpu.wait_indirect_dma semaphore(%run_scoped3A : memref<!tpu.dma_semaphore, #tpu.memory_space<semaphore_mem>>) src(%arg10 : memref<128x128xf32, #tpu.memory_space<vmem>>) dst(%dma_wait3A_43 : memref<10240x128xf32, #tpu.memory_space<vmem_shared>>)
        tpu.yield
      }) : () -> ()
    }
    %scan3A_14 = arith.constant 79 : i32
    %barrier3A_15 = arith.constant 0 : index
    tpu.barrier barrier_id(%barrier3A_15)
    %eq3A = arith.constant 0 : i32
    %eq3A_16 = arith.cmpi eq, %arg0, %eq3A : i32
    %convert_element_type3A = arith.extui %eq3A_16 : i1 to i32
    %cond3A = arith.constant 0 : i32
    %cond3A_17 = arith.cmpi ne, %convert_element_type3A, %cond3A : i32
    scf.if %cond3A_17 {
      %mul3A_23 = arith.constant 640 : i32
      %mul3A_24 = arith.muli %arg1, %mul3A_23 : i32
      %mul3A_25 = arith.constant 640 : i32
      %mul3A_26 = arith.muli %arg1, %mul3A_25 : i32
      "tpu.region"() ({
        %run_scoped3A = tpu.sem_alloc : memref<!tpu.dma_semaphore, #tpu.memory_space<semaphore_mem>>
        %dma_start3A = arith.constant 0 : i32
        %dma_start3A_27 = tpu.memref_slice %arg6[%mul3A_26, %dma_start3A] : memref<10240x128xf32, #tpu.memory_space<hbm>> -> memref<640x128xf32, #tpu.memory_space<hbm>>
        %dma_start3A_28 = arith.constant 0 : i32
        %dma_start3A_29 = tpu.memref_slice %arg11[%mul3A_24, %dma_start3A_28] : memref<10240x128xf32, #tpu.memory_space<vmem_shared>> -> memref<640x128xf32, #tpu.memory_space<vmem_shared>>
        tpu.enqueue_dma source(%dma_start3A_29 : memref<640x128xf32, #tpu.memory_space<vmem_shared>>) target(%dma_start3A_27 : memref<640x128xf32, #tpu.memory_space<hbm>>) target_semaphore(%run_scoped3A : memref<!tpu.dma_semaphore, #tpu.memory_space<semaphore_mem>>)
        %dma_wait3A = arith.constant 0 : i32
        %dma_wait3A_30 = tpu.memref_slice %arg6[%mul3A_26, %dma_wait3A] : memref<10240x128xf32, #tpu.memory_space<hbm>> -> memref<640x128xf32, #tpu.memory_space<hbm>>
        %dma_wait3A_31 = arith.constant 0 : i32
        %dma_wait3A_32 = tpu.memref_slice %arg11[%mul3A_24, %dma_wait3A_31] : memref<10240x128xf32, #tpu.memory_space<vmem_shared>> -> memref<640x128xf32, #tpu.memory_space<vmem_shared>>
        tpu.wait_dma2 semaphore(%run_scoped3A : memref<!tpu.dma_semaphore, #tpu.memory_space<semaphore_mem>>) src(%dma_wait3A_32 : memref<640x128xf32, #tpu.memory_space<vmem_shared>>) dst(%dma_wait3A_30 : memref<640x128xf32, #tpu.memory_space<hbm>>)
        tpu.yield
      }) : () -> ()
    } else {
    }
    %eq3A_18 = arith.constant 1 : i32
    %eq3A_19 = arith.cmpi eq, %arg0, %eq3A_18 : i32
    %convert_element_type3A_20 = arith.extui %eq3A_19 : i1 to i32
    %cond3A_21 = arith.constant 0 : i32
    %cond3A_22 = arith.cmpi ne, %convert_element_type3A_20, %cond3A_21 : i32
    scf.if %cond3A_22 {
      %mul3A_23 = arith.constant 640 : i32
      %mul3A_24 = arith.muli %arg1, %mul3A_23 : i32
      %mul3A_25 = arith.constant 640 : i32
      %mul3A_26 = arith.muli %arg1, %mul3A_25 : i32
      "tpu.region"() ({
        %run_scoped3A = tpu.sem_alloc : memref<!tpu.dma_semaphore, #tpu.memory_space<semaphore_mem>>
        %dma_start3A = arith.constant 0 : i32
        %dma_start3A_27 = tpu.memref_slice %arg7[%mul3A_26, %dma_start3A] : memref<10240x128xf32, #tpu.memory_space<hbm>> -> memref<640x128xf32, #tpu.memory_space<hbm>>
        %dma_start3A_28 = arith.constant 0 : i32
        %dma_start3A_29 = tpu.memref_slice %arg11[%mul3A_24, %dma_start3A_28] : memref<10240x128xf32, #tpu.memory_space<vmem_shared>> -> memref<640x128xf32, #tpu.memory_space<vmem_shared>>
        tpu.enqueue_dma source(%dma_start3A_29 : memref<640x128xf32, #tpu.memory_space<vmem_shared>>) target(%dma_start3A_27 : memref<640x128xf32, #tpu.memory_space<hbm>>) target_semaphore(%run_scoped3A : memref<!tpu.dma_semaphore, #tpu.memory_space<semaphore_mem>>)
        %dma_wait3A = arith.constant 0 : i32
        %dma_wait3A_30 = tpu.memref_slice %arg7[%mul3A_26, %dma_wait3A] : memref<10240x128xf32, #tpu.memory_space<hbm>> -> memref<640x128xf32, #tpu.memory_space<hbm>>
        %dma_wait3A_31 = arith.constant 0 : i32
        %dma_wait3A_32 = tpu.memref_slice %arg11[%mul3A_24, %dma_wait3A_31] : memref<10240x128xf32, #tpu.memory_space<vmem_shared>> -> memref<640x128xf32, #tpu.memory_space<vmem_shared>>
        tpu.wait_dma2 semaphore(%run_scoped3A : memref<!tpu.dma_semaphore, #tpu.memory_space<semaphore_mem>>) src(%dma_wait3A_32 : memref<640x128xf32, #tpu.memory_space<vmem_shared>>) dst(%dma_wait3A_30 : memref<640x128xf32, #tpu.memory_space<hbm>>)
        tpu.yield
      }) : () -> ()
    } else {
    }
    return
  }
}

module attributes {stable_mosaic.version = 14 : i64} {
  func.func @body(%arg0: i32, %arg1: memref<2000x128xf32, #tpu.memory_space<vmem>>, %arg2: memref<2000x256xf32, #tpu.memory_space<vmem>>, %arg3: memref<2000x128xf32, #tpu.memory_space<vmem>>, %arg4: memref<2000x128xf32, #tpu.memory_space<vmem>>) attributes {dimension_semantics = [#tpu.dimension_semantics<arbitrary>], iteration_bounds = array<i64: 5>, scalar_prefetch = 0 : i64, scratch_operands = 0 : i64, tpu.core_type = #tpu.core_type<tc>, window_params = [{transform_indices = @transform_0, window_bounds = array<i64: 2000, 128>}, {transform_indices = @transform_1, window_bounds = array<i64: 2000, 256>}, {transform_indices = @transform_2, window_bounds = array<i64: 2000, 128>}, {transform_indices = @transform_3, window_bounds = array<i64: 2000, 128>}]} {
    %get3A = arith.constant 0 : index
    %get3A_0 = arith.constant 0 : index
    %get3A_1 = vector.load %arg1[%get3A, %get3A_0] : memref<2000x128xf32, #tpu.memory_space<vmem>>, vector<2000x128xf32>
    %gt3A = arith.constant 0.000000e+00 : f32
    %gt3A_2 = vector.broadcast %gt3A : f32 to vector<2000x128xf32>
    %gt3A_3 = arith.cmpf ogt, %get3A_1, %gt3A_2 : vector<2000x128xf32>
    %max3A = arith.constant 9.99999996E-13 : f32
    %max3A_4 = vector.broadcast %max3A : f32 to vector<2000x128xf32>
    %max3A_5 = arith.maximumf %get3A_1, %max3A_4 : vector<2000x128xf32>
    %rsqrt3A = math.rsqrt %max3A_5 : vector<2000x128xf32>
    %jit3A = arith.constant 0.000000e+00 : f32
    %broadcast_in_dim3A = vector.broadcast %jit3A : f32 to vector<2000x128xf32>
    %select_n3A = arith.select %gt3A_3, %rsqrt3A, %broadcast_in_dim3A : vector<2000x128xi1>, vector<2000x128xf32>
    %get3A_6 = arith.constant 0 : index
    %get3A_7 = arith.constant 0 : index
    %get3A_8 = vector.load %arg2[%get3A_6, %get3A_7] : memref<2000x256xf32, #tpu.memory_space<vmem>>, vector<2000x256xf32>
    %slice3A = vector.extract_strided_slice %get3A_8 {offsets = [0, 0], sizes = [2000, 128], strides = [1, 1]} : vector<2000x256xf32> to vector<2000x128xf32>
    %mul3A = arith.mulf %slice3A, %select_n3A : vector<2000x128xf32>
    %swap3A = arith.constant 0 : index
    %swap3A_9 = arith.constant 0 : index
    %swap3A_10 = vector.load %arg3[%swap3A, %swap3A_9] : memref<2000x128xf32, #tpu.memory_space<vmem>>, vector<2000x128xf32>
    tpu.vector_store %arg3[%swap3A, %swap3A_9], %mul3A {strides = array<i32>} : memref<2000x128xf32, #tpu.memory_space<vmem>>, vector<2000x128xf32>,
    %slice3A_11 = vector.extract_strided_slice %get3A_8 {offsets = [0, 128], sizes = [2000, 128], strides = [1, 1]} : vector<2000x256xf32> to vector<2000x128xf32>
    %mul3A_12 = arith.mulf %slice3A_11, %select_n3A : vector<2000x128xf32>
    %swap3A_13 = arith.constant 0 : index
    %swap3A_14 = arith.constant 0 : index
    %swap3A_15 = vector.load %arg4[%swap3A_13, %swap3A_14] : memref<2000x128xf32, #tpu.memory_space<vmem>>, vector<2000x128xf32>
    tpu.vector_store %arg4[%swap3A_13, %swap3A_14], %mul3A_12 {strides = array<i32>} : memref<2000x128xf32, #tpu.memory_space<vmem>>, vector<2000x128xf32>,
    return
  }
  func.func @transform_0(%arg0: i32) -> (i32, i32) {
    %c0_i32 = arith.constant 0 : i32
    %c0_i32_0 = arith.constant 0 : i32
    return %arg0, %c0_i32 : i32, i32
  }
  func.func @transform_1(%arg0: i32) -> (i32, i32) {
    %c0_i32 = arith.constant 0 : i32
    %c0_i32_0 = arith.constant 0 : i32
    return %arg0, %c0_i32 : i32, i32
  }
  func.func @transform_2(%arg0: i32) -> (i32, i32) {
    %c0_i32 = arith.constant 0 : i32
    %c0_i32_0 = arith.constant 0 : i32
    return %arg0, %c0_i32 : i32, i32
  }
  func.func @transform_3(%arg0: i32) -> (i32, i32) {
    %c0_i32 = arith.constant 0 : i32
    %c0_i32_0 = arith.constant 0 : i32
    return %arg0, %c0_i32 : i32, i32
  }
}

module attributes {stable_mosaic.version = 14 : i64} {
  func.func @body(%arg0: i32, %arg1: memref<2000x256xf32, #tpu.memory_space<vmem>>, %arg2: memref<256x512xf32, #tpu.memory_space<vmem>>, %arg3: memref<2000x512xf32, #tpu.memory_space<vmem>>) attributes {dimension_semantics = [#tpu.dimension_semantics<arbitrary>], iteration_bounds = array<i64: 5>, scalar_prefetch = 0 : i64, scratch_operands = 0 : i64, tpu.core_type = #tpu.core_type<tc>, window_params = [{transform_indices = @transform_0, window_bounds = array<i64: 2000, 256>}, {pipeline_mode = #tpu.pipeline_mode<synchronous>, transform_indices = @transform_1, window_bounds = array<i64: 256, 512>}, {transform_indices = @transform_2, window_bounds = array<i64: 2000, 512>}]} {
    %get3A = arith.constant 0 : index
    %get3A_0 = arith.constant 0 : index
    %get3A_1 = vector.load %arg1[%get3A, %get3A_0] : memref<2000x256xf32, #tpu.memory_space<vmem>>, vector<2000x256xf32>
    %get3A_2 = arith.constant 0 : index
    %get3A_3 = arith.constant 0 : index
    %get3A_4 = vector.load %arg2[%get3A_2, %get3A_3] : memref<256x512xf32, #tpu.memory_space<vmem>>, vector<256x512xf32>
    %dot_general3A = arith.constant dense<0.000000e+00> : vector<2000x512xf32>
    %dot_general3A_5 = tpu.matmul %get3A_1, %get3A_4, %dot_general3A {dimension_numbers = #tpu.dot_dimension_numbers<[1], [0], [0], [1], [0, 0, 1, 1], [], []>, transpose_lhs_hint = false} : vector<2000x256xf32>, vector<256x512xf32>, vector<2000x512xf32> -> vector<2000x512xf32>
    %swap3A = arith.constant 0 : index
    %swap3A_6 = arith.constant 0 : index
    %swap3A_7 = vector.load %arg3[%swap3A, %swap3A_6] : memref<2000x512xf32, #tpu.memory_space<vmem>>, vector<2000x512xf32>
    tpu.vector_store %arg3[%swap3A, %swap3A_6], %dot_general3A_5 {strides = array<i32>} : memref<2000x512xf32, #tpu.memory_space<vmem>>, vector<2000x512xf32>,
    return
  }
  func.func @transform_0(%arg0: i32) -> (i32, i32) {
    %c0_i32 = arith.constant 0 : i32
    %c0_i32_0 = arith.constant 0 : i32
    return %arg0, %c0_i32 : i32, i32
  }
  func.func @transform_1(%arg0: i32) -> (i32, i32) {
    %c0_i32 = arith.constant 0 : i32
    %c0_i32_0 = arith.constant 0 : i32
    %c0_i32_1 = arith.constant 0 : i32
    return %c0_i32, %c0_i32_0 : i32, i32
  }
  func.func @transform_2(%arg0: i32) -> (i32, i32) {
    %c0_i32 = arith.constant 0 : i32
    %c0_i32_0 = arith.constant 0 : i32
    return %arg0, %c0_i32 : i32, i32
  }
}

module attributes {stable_mosaic.version = 14 : i64} {
  func.func @body(%arg0: i32, %arg1: memref<2000x128xf32, #tpu.memory_space<vmem>>, %arg2: memref<2000x512xf32, #tpu.memory_space<vmem>>, %arg3: memref<2000x128xf32, #tpu.memory_space<vmem>>, %arg4: memref<2000x128xf32, #tpu.memory_space<vmem>>, %arg5: memref<128x512xf32, #tpu.memory_space<vmem>>, %arg6: memref<128x512xf32, #tpu.memory_space<vmem>>, %arg7: memref<1x512xf32, #tpu.memory_space<vmem>>, %arg8: memref<512x256xf32, #tpu.memory_space<vmem>>, %arg9: memref<2000x512xf32, #tpu.memory_space<vmem>>, %arg10: memref<2000x128xf32, #tpu.memory_space<vmem>>, %arg11: memref<2000x128xf32, #tpu.memory_space<vmem>>) attributes {dimension_semantics = [#tpu.dimension_semantics<arbitrary>], iteration_bounds = array<i64: 5>, scalar_prefetch = 0 : i64, scratch_operands = 0 : i64, tpu.core_type = #tpu.core_type<tc>, window_params = [{transform_indices = @transform_0, window_bounds = array<i64: 2000, 128>}, {transform_indices = @transform_1, window_bounds = array<i64: 2000, 512>}, {transform_indices = @transform_2, window_bounds = array<i64: 2000, 128>}, {transform_indices = @transform_3, window_bounds = array<i64: 2000, 128>}, {transform_indices = @transform_4, window_bounds = array<i64: 128, 512>}, {transform_indices = @transform_5, window_bounds = array<i64: 128, 512>}, {pipeline_mode = #tpu.pipeline_mode<synchronous>, transform_indices = @transform_6, window_bounds = array<i64: 1, 512>}, {pipeline_mode = #tpu.pipeline_mode<synchronous>, transform_indices = @transform_7, window_bounds = array<i64: 512, 256>}, {transform_indices = @transform_8, window_bounds = array<i64: 2000, 512>}, {transform_indices = @transform_9, window_bounds = array<i64: 2000, 128>}, {transform_indices = @transform_10, window_bounds = array<i64: 2000, 128>}]} {
    %get3A = arith.constant 0 : index
    %get3A_0 = arith.constant 0 : index
    %get3A_1 = vector.load %arg1[%get3A, %get3A_0] : memref<2000x128xf32, #tpu.memory_space<vmem>>, vector<2000x128xf32>
    %gt3A = arith.constant 0.000000e+00 : f32
    %gt3A_2 = vector.broadcast %gt3A : f32 to vector<2000x128xf32>
    %gt3A_3 = arith.cmpf ogt, %get3A_1, %gt3A_2 : vector<2000x128xf32>
    %max3A = arith.constant 9.99999996E-13 : f32
    %max3A_4 = vector.broadcast %max3A : f32 to vector<2000x128xf32>
    %max3A_5 = arith.maximumf %get3A_1, %max3A_4 : vector<2000x128xf32>
    %rsqrt3A = math.rsqrt %max3A_5 : vector<2000x128xf32>
    %jit3A = arith.constant 0.000000e+00 : f32
    %broadcast_in_dim3A = vector.broadcast %jit3A : f32 to vector<2000x128xf32>
    %select_n3A = arith.select %gt3A_3, %rsqrt3A, %broadcast_in_dim3A : vector<2000x128xi1>, vector<2000x128xf32>
    %get3A_6 = arith.constant 0 : index
    %get3A_7 = arith.constant 0 : index
    %get3A_8 = vector.load %arg3[%get3A_6, %get3A_7] : memref<2000x128xf32, #tpu.memory_space<vmem>>, vector<2000x128xf32>
    %neg3A = arith.constant 0.000000e+00 : f32
    %neg3A_9 = vector.broadcast %neg3A : f32 to vector<2000x128xf32>
    %neg3A_10 = arith.subf %neg3A_9, %select_n3A : vector<2000x128xf32>
    %mul3A = arith.mulf %get3A_8, %neg3A_10 : vector<2000x128xf32>
    %get3A_11 = arith.constant 0 : index
    %get3A_12 = arith.constant 0 : index
    %get3A_13 = vector.load %arg4[%get3A_11, %get3A_12] : memref<2000x128xf32, #tpu.memory_space<vmem>>, vector<2000x128xf32>
    %neg3A_14 = arith.constant 0.000000e+00 : f32
    %neg3A_15 = vector.broadcast %neg3A_14 : f32 to vector<2000x128xf32>
    %neg3A_16 = arith.subf %neg3A_15, %select_n3A : vector<2000x128xf32>
    %mul3A_17 = arith.mulf %get3A_13, %neg3A_16 : vector<2000x128xf32>
    %get3A_18 = arith.constant 0 : index
    %get3A_19 = arith.constant 0 : index
    %get3A_20 = vector.load %arg2[%get3A_18, %get3A_19] : memref<2000x512xf32, #tpu.memory_space<vmem>>, vector<2000x512xf32>
    %get3A_21 = arith.constant 0 : index
    %get3A_22 = arith.constant 0 : index
    %get3A_23 = vector.load %arg5[%get3A_21, %get3A_22] : memref<128x512xf32, #tpu.memory_space<vmem>>, vector<128x512xf32>
    %dot_general3A = arith.constant dense<0.000000e+00> : vector<2000x512xf32>
    %dot_general3A_24 = tpu.matmul %mul3A, %get3A_23, %dot_general3A {dimension_numbers = #tpu.dot_dimension_numbers<[1], [0], [0], [1], [0, 0, 1, 1], [], []>, transpose_lhs_hint = false} : vector<2000x128xf32>, vector<128x512xf32>, vector<2000x512xf32> -> vector<2000x512xf32>
    %add3A = arith.addf %get3A_20, %dot_general3A_24 : vector<2000x512xf32>
    %get3A_25 = arith.constant 0 : index
    %get3A_26 = arith.constant 0 : index
    %get3A_27 = vector.load %arg6[%get3A_25, %get3A_26] : memref<128x512xf32, #tpu.memory_space<vmem>>, vector<128x512xf32>
    %dot_general3A_28 = arith.constant dense<0.000000e+00> : vector<2000x512xf32>
    %dot_general3A_29 = tpu.matmul %mul3A_17, %get3A_27, %dot_general3A_28 {dimension_numbers = #tpu.dot_dimension_numbers<[1], [0], [0], [1], [0, 0, 1, 1], [], []>, transpose_lhs_hint = false} : vector<2000x128xf32>, vector<128x512xf32>, vector<2000x512xf32> -> vector<2000x512xf32>
    %add3A_30 = arith.addf %add3A, %dot_general3A_29 : vector<2000x512xf32>
    %get3A_31 = arith.constant 0 : index
    %get3A_32 = arith.constant 0 : index
    %get3A_33 = vector.load %arg7[%get3A_31, %get3A_32] : memref<1x512xf32, #tpu.memory_space<vmem>>, vector<1x512xf32>
    %add3A_34 = vector.broadcast %get3A_33 : vector<1x512xf32> to vector<2000x512xf32>
    %add3A_35 = arith.addf %add3A_30, %add3A_34 : vector<2000x512xf32>
    %max3A_36 = arith.constant 0.000000e+00 : f32
    %max3A_37 = vector.broadcast %max3A_36 : f32 to vector<2000x512xf32>
    %max3A_38 = arith.maximumf %add3A_35, %max3A_37 : vector<2000x512xf32>
    %swap3A = arith.constant 0 : index
    %swap3A_39 = arith.constant 0 : index
    %swap3A_40 = vector.load %arg9[%swap3A, %swap3A_39] : memref<2000x512xf32, #tpu.memory_space<vmem>>, vector<2000x512xf32>
    tpu.vector_store %arg9[%swap3A, %swap3A_39], %max3A_38 {strides = array<i32>} : memref<2000x512xf32, #tpu.memory_space<vmem>>, vector<2000x512xf32>,
    %get3A_41 = arith.constant 0 : index
    %get3A_42 = arith.constant 0 : index
    %get3A_43 = vector.load %arg8[%get3A_41, %get3A_42] : memref<512x256xf32, #tpu.memory_space<vmem>>, vector<512x256xf32>
    %dot_general3A_44 = arith.constant dense<0.000000e+00> : vector<2000x256xf32>
    %dot_general3A_45 = tpu.matmul %max3A_38, %get3A_43, %dot_general3A_44 {dimension_numbers = #tpu.dot_dimension_numbers<[1], [0], [0], [1], [0, 0, 1, 1], [], []>, transpose_lhs_hint = false} : vector<2000x512xf32>, vector<512x256xf32>, vector<2000x256xf32> -> vector<2000x256xf32>
    %slice3A = vector.extract_strided_slice %dot_general3A_45 {offsets = [0, 0], sizes = [2000, 128], strides = [1, 1]} : vector<2000x256xf32> to vector<2000x128xf32>
    %mul3A_46 = arith.mulf %slice3A, %select_n3A : vector<2000x128xf32>
    %swap3A_47 = arith.constant 0 : index
    %swap3A_48 = arith.constant 0 : index
    %swap3A_49 = vector.load %arg10[%swap3A_47, %swap3A_48] : memref<2000x128xf32, #tpu.memory_space<vmem>>, vector<2000x128xf32>
    tpu.vector_store %arg10[%swap3A_47, %swap3A_48], %mul3A_46 {strides = array<i32>} : memref<2000x128xf32, #tpu.memory_space<vmem>>, vector<2000x128xf32>,
    %slice3A_50 = vector.extract_strided_slice %dot_general3A_45 {offsets = [0, 128], sizes = [2000, 128], strides = [1, 1]} : vector<2000x256xf32> to vector<2000x128xf32>
    %mul3A_51 = arith.mulf %slice3A_50, %select_n3A : vector<2000x128xf32>
    %swap3A_52 = arith.constant 0 : index
    %swap3A_53 = arith.constant 0 : index
    %swap3A_54 = vector.load %arg11[%swap3A_52, %swap3A_53] : memref<2000x128xf32, #tpu.memory_space<vmem>>, vector<2000x128xf32>
    tpu.vector_store %arg11[%swap3A_52, %swap3A_53], %mul3A_51 {strides = array<i32>} : memref<2000x128xf32, #tpu.memory_space<vmem>>, vector<2000x128xf32>,
    return
  }
  func.func @transform_0(%arg0: i32) -> (i32, i32) {
    %c0_i32 = arith.constant 0 : i32
    %c0_i32_0 = arith.constant 0 : i32
    return %arg0, %c0_i32 : i32, i32
  }
  func.func @transform_1(%arg0: i32) -> (i32, i32) {
    %c0_i32 = arith.constant 0 : i32
    %c0_i32_0 = arith.constant 0 : i32
    return %arg0, %c0_i32 : i32, i32
  }
  func.func @transform_2(%arg0: i32) -> (i32, i32) {
    %c0_i32 = arith.constant 0 : i32
    %c0_i32_0 = arith.constant 0 : i32
    return %arg0, %c0_i32 : i32, i32
  }
  func.func @transform_3(%arg0: i32) -> (i32, i32) {
    %c0_i32 = arith.constant 0 : i32
    %c0_i32_0 = arith.constant 0 : i32
    return %arg0, %c0_i32 : i32, i32
  }
  func.func @transform_4(%arg0: i32) -> (i32, i32) {
    %c0_i32 = arith.constant 0 : i32
    %c0_i32_0 = arith.constant 0 : i32
    %c0_i32_1 = arith.constant 0 : i32
    return %c0_i32, %c0_i32_0 : i32, i32
  }
  func.func @transform_5(%arg0: i32) -> (i32, i32) {
    %c1_i32 = arith.constant 1 : i32
    %c0_i32 = arith.constant 0 : i32
    %c0_i32_0 = arith.constant 0 : i32
    return %c1_i32, %c0_i32 : i32, i32
  }
  func.func @transform_6(%arg0: i32) -> (i32, i32) {
    %c0_i32 = arith.constant 0 : i32
    %c0_i32_0 = arith.constant 0 : i32
    %c0_i32_1 = arith.constant 0 : i32
    return %c0_i32, %c0_i32_0 : i32, i32
  }
  func.func @transform_7(%arg0: i32) -> (i32, i32) {
    %c0_i32 = arith.constant 0 : i32
    %c0_i32_0 = arith.constant 0 : i32
    %c0_i32_1 = arith.constant 0 : i32
    return %c0_i32, %c0_i32_0 : i32, i32
  }
  func.func @transform_8(%arg0: i32) -> (i32, i32) {
    %c0_i32 = arith.constant 0 : i32
    %c0_i32_0 = arith.constant 0 : i32
    return %arg0, %c0_i32 : i32, i32
  }
  func.func @transform_9(%arg0: i32) -> (i32, i32) {
    %c0_i32 = arith.constant 0 : i32
    %c0_i32_0 = arith.constant 0 : i32
    return %arg0, %c0_i32 : i32, i32
  }
  func.func @transform_10(%arg0: i32) -> (i32, i32) {
    %c0_i32 = arith.constant 0 : i32
    %c0_i32_0 = arith.constant 0 : i32
    return %arg0, %c0_i32 : i32, i32
  }
}

module attributes {stable_mosaic.version = 14 : i64} {
  func.func @body(%arg0: i32, %arg1: memref<2000x512xf32, #tpu.memory_space<vmem>>, %arg2: memref<512x256xf32, #tpu.memory_space<vmem>>, %arg3: memref<2000x256xf32, #tpu.memory_space<vmem>>) attributes {dimension_semantics = [#tpu.dimension_semantics<arbitrary>], iteration_bounds = array<i64: 5>, scalar_prefetch = 0 : i64, scratch_operands = 0 : i64, tpu.core_type = #tpu.core_type<tc>, window_params = [{transform_indices = @transform_0, window_bounds = array<i64: 2000, 512>}, {pipeline_mode = #tpu.pipeline_mode<synchronous>, transform_indices = @transform_1, window_bounds = array<i64: 512, 256>}, {transform_indices = @transform_2, window_bounds = array<i64: 2000, 256>}]} {
    %get3A = arith.constant 0 : index
    %get3A_0 = arith.constant 0 : index
    %get3A_1 = vector.load %arg1[%get3A, %get3A_0] : memref<2000x512xf32, #tpu.memory_space<vmem>>, vector<2000x512xf32>
    %get3A_2 = arith.constant 0 : index
    %get3A_3 = arith.constant 0 : index
    %get3A_4 = vector.load %arg2[%get3A_2, %get3A_3] : memref<512x256xf32, #tpu.memory_space<vmem>>, vector<512x256xf32>
    %dot_general3A = arith.constant dense<0.000000e+00> : vector<2000x256xf32>
    %dot_general3A_5 = tpu.matmul %get3A_1, %get3A_4, %dot_general3A {dimension_numbers = #tpu.dot_dimension_numbers<[1], [0], [0], [1], [0, 0, 1, 1], [], []>, transpose_lhs_hint = false} : vector<2000x512xf32>, vector<512x256xf32>, vector<2000x256xf32> -> vector<2000x256xf32>
    %swap3A = arith.constant 0 : index
    %swap3A_6 = arith.constant 0 : index
    %swap3A_7 = vector.load %arg3[%swap3A, %swap3A_6] : memref<2000x256xf32, #tpu.memory_space<vmem>>, vector<2000x256xf32>
    tpu.vector_store %arg3[%swap3A, %swap3A_6], %dot_general3A_5 {strides = array<i32>} : memref<2000x256xf32, #tpu.memory_space<vmem>>, vector<2000x256xf32>,
    return
  }
  func.func @transform_0(%arg0: i32) -> (i32, i32) {
    %c0_i32 = arith.constant 0 : i32
    %c0_i32_0 = arith.constant 0 : i32
    return %arg0, %c0_i32 : i32, i32
  }
  func.func @transform_1(%arg0: i32) -> (i32, i32) {
    %c0_i32 = arith.constant 0 : i32
    %c0_i32_0 = arith.constant 0 : i32
    %c0_i32_1 = arith.constant 0 : i32
    return %c0_i32, %c0_i32_0 : i32, i32
  }
  func.func @transform_2(%arg0: i32) -> (i32, i32) {
    %c0_i32 = arith.constant 0 : i32
    %c0_i32_0 = arith.constant 0 : i32
    return %arg0, %c0_i32 : i32, i32
  }
}

module attributes {stable_mosaic.version = 14 : i64} {
  func.func @body(%arg0: i32, %arg1: memref<2000x128xf32, #tpu.memory_space<vmem>>, %arg2: memref<2000x256xf32, #tpu.memory_space<vmem>>, %arg3: memref<2000x128xf32, #tpu.memory_space<vmem>>, %arg4: memref<2000x128xf32, #tpu.memory_space<vmem>>, %arg5: memref<1x256xf32, #tpu.memory_space<vmem>>, %arg6: memref<2000x256xf32, #tpu.memory_space<vmem>>) attributes {dimension_semantics = [#tpu.dimension_semantics<arbitrary>], iteration_bounds = array<i64: 5>, scalar_prefetch = 0 : i64, scratch_operands = 0 : i64, tpu.core_type = #tpu.core_type<tc>, window_params = [{transform_indices = @transform_0, window_bounds = array<i64: 2000, 128>}, {transform_indices = @transform_1, window_bounds = array<i64: 2000, 256>}, {transform_indices = @transform_2, window_bounds = array<i64: 2000, 128>}, {transform_indices = @transform_3, window_bounds = array<i64: 2000, 128>}, {pipeline_mode = #tpu.pipeline_mode<synchronous>, transform_indices = @transform_4, window_bounds = array<i64: 1, 256>}, {transform_indices = @transform_5, window_bounds = array<i64: 2000, 256>}]} {
    %get3A = arith.constant 0 : index
    %get3A_0 = arith.constant 0 : index
    %get3A_1 = vector.load %arg1[%get3A, %get3A_0] : memref<2000x128xf32, #tpu.memory_space<vmem>>, vector<2000x128xf32>
    %gt3A = arith.constant 0.000000e+00 : f32
    %gt3A_2 = vector.broadcast %gt3A : f32 to vector<2000x128xf32>
    %gt3A_3 = arith.cmpf ogt, %get3A_1, %gt3A_2 : vector<2000x128xf32>
    %max3A = arith.constant 9.99999996E-13 : f32
    %max3A_4 = vector.broadcast %max3A : f32 to vector<2000x128xf32>
    %max3A_5 = arith.maximumf %get3A_1, %max3A_4 : vector<2000x128xf32>
    %rsqrt3A = math.rsqrt %max3A_5 : vector<2000x128xf32>
    %jit3A = arith.constant 0.000000e+00 : f32
    %broadcast_in_dim3A = vector.broadcast %jit3A : f32 to vector<2000x128xf32>
    %select_n3A = arith.select %gt3A_3, %rsqrt3A, %broadcast_in_dim3A : vector<2000x128xi1>, vector<2000x128xf32>
    %get3A_6 = arith.constant 0 : index
    %get3A_7 = arith.constant 0 : index
    %get3A_8 = vector.load %arg3[%get3A_6, %get3A_7] : memref<2000x128xf32, #tpu.memory_space<vmem>>, vector<2000x128xf32>
    %mul3A = arith.mulf %get3A_8, %select_n3A : vector<2000x128xf32>
    %get3A_9 = arith.constant 0 : index
    %get3A_10 = arith.constant 0 : index
    %get3A_11 = vector.load %arg4[%get3A_9, %get3A_10] : memref<2000x128xf32, #tpu.memory_space<vmem>>, vector<2000x128xf32>
    %mul3A_12 = arith.mulf %get3A_11, %select_n3A : vector<2000x128xf32>
    %concatenate3A = tpu.concatenate %mul3A, %mul3A_12 in 1 : vector<2000x128xf32>, vector<2000x128xf32> -> vector<2000x256xf32>
    %get3A_13 = arith.constant 0 : index
    %get3A_14 = arith.constant 0 : index
    %get3A_15 = vector.load %arg2[%get3A_13, %get3A_14] : memref<2000x256xf32, #tpu.memory_space<vmem>>, vector<2000x256xf32>
    %sub3A = arith.subf %get3A_15, %concatenate3A : vector<2000x256xf32>
    %get3A_16 = arith.constant 0 : index
    %get3A_17 = arith.constant 0 : index
    %get3A_18 = vector.load %arg5[%get3A_16, %get3A_17] : memref<1x256xf32, #tpu.memory_space<vmem>>, vector<1x256xf32>
    %add3A = vector.broadcast %get3A_18 : vector<1x256xf32> to vector<2000x256xf32>
    %add3A_19 = arith.addf %sub3A, %add3A : vector<2000x256xf32>
    %max3A_20 = arith.constant 0.000000e+00 : f32
    %max3A_21 = vector.broadcast %max3A_20 : f32 to vector<2000x256xf32>
    %max3A_22 = arith.maximumf %add3A_19, %max3A_21 : vector<2000x256xf32>
    %swap3A = arith.constant 0 : index
    %swap3A_23 = arith.constant 0 : index
    %swap3A_24 = vector.load %arg6[%swap3A, %swap3A_23] : memref<2000x256xf32, #tpu.memory_space<vmem>>, vector<2000x256xf32>
    tpu.vector_store %arg6[%swap3A, %swap3A_23], %max3A_22 {strides = array<i32>} : memref<2000x256xf32, #tpu.memory_space<vmem>>, vector<2000x256xf32>,
    return
  }
  func.func @transform_0(%arg0: i32) -> (i32, i32) {
    %c0_i32 = arith.constant 0 : i32
    %c0_i32_0 = arith.constant 0 : i32
    return %arg0, %c0_i32 : i32, i32
  }
  func.func @transform_1(%arg0: i32) -> (i32, i32) {
    %c0_i32 = arith.constant 0 : i32
    %c0_i32_0 = arith.constant 0 : i32
    return %arg0, %c0_i32 : i32, i32
  }
  func.func @transform_2(%arg0: i32) -> (i32, i32) {
    %c0_i32 = arith.constant 0 : i32
    %c0_i32_0 = arith.constant 0 : i32
    return %arg0, %c0_i32 : i32, i32
  }
  func.func @transform_3(%arg0: i32) -> (i32, i32) {
    %c0_i32 = arith.constant 0 : i32
    %c0_i32_0 = arith.constant 0 : i32
    return %arg0, %c0_i32 : i32, i32
  }
  func.func @transform_4(%arg0: i32) -> (i32, i32) {
    %c0_i32 = arith.constant 0 : i32
    %c0_i32_0 = arith.constant 0 : i32
    %c0_i32_1 = arith.constant 0 : i32
    return %c0_i32, %c0_i32_0 : i32, i32
  }
  func.func @transform_5(%arg0: i32) -> (i32, i32) {
    %c0_i32 = arith.constant 0 : i32
    %c0_i32_0 = arith.constant 0 : i32
    return %arg0, %c0_i32 : i32, i32
  }
}

</mosaic_0001>

<sc_bundles>
// kernel: kernel.10.cloned.1.call-start
scs
__scs_entry_jumppad:
0x0: {  	(pc) =	sbr.rel $0x88, $3  }
0x1: {  	(tag) =	ssettag $0x0;
	lr =	simm.s32 $0x1  }
0x2: {  	[smem:$0x3F99] =	sst lr;
	_ =	strace $0xD0000000  }
0x3: {  	_ = 	snop  }
0x4: {  	_ = 	snop  }
0x5: {  	_ = 	snop  }
0x6: {  	_ = 	snop  }
0x7: {  	_ = 	snop  }
__scs_overlays_trampoline_lowered:
0x8: {  	[smem:$0x3FA8] =	sst s0  }
0x9: {  	[smem:$0x3FA9] =	sst s1  }
0xa: {  	[smem:$0x3FAA] =	sst s2  }
0xb: {  	[smem:$0x3FAB] =	sst s3  }
0xc: {  	[smem:$0x3FAC] =	sst s4  }
0xd: {  	[smem:$0x3FAD] =	sst s5  }
0xe: {  	[smem:$0x3FAE] =	sst s6  }
0xf: {  	[smem:$0x3FAF] =	sst s7  }
0x10: {  	[smem:$0x3FB0] =	sst s8  }
0x11: {  	[smem:$0x3FB1] =	sst s9;
	s0 =	simm.s32 @!p0 $0x0  }
0x12: {  	s1 =	sld [smem:$0x3F97];
	s0 =	simm.s32 @p0 $0x1  }
0x13: {  	[smem:$0x3FB2] =	sst s0;
	s0 =	simm.s32 @!p1 $0x0  }
0x14: {  	s2 =	sld [smem:$0x3F96];
	s0 =	simm.s32 @p1 $0x1  }
0x15: {  	[smem:$0x3FB3] =	sst s0;
	s0 =	simm.s32 @!p2 $0x0  }
0x16: {  	s3 =	sld [smem:$0x3FDB];
	s0 =	simm.s32 @p2 $0x1  }
0x17: {  	s4 =	simm.s32 $0x1BF5;
	[smem:$0x3FB5] =	sst s0  }
0x18: {  	s0 =	sld [smem:$0x3F98];
	_ =	swait.ge [sflag:s4], $0x0  }
0x19: {  	s7 =	sld [smem:$0x3F99]  }
0x1a: {  	s8 =	sadd.s32 $0xFFFFE003, lr  }
0x1b: {  	s9 =	sadd.s32 $0xFFFFFEF7, lr;
	s5 =	simm.s32 $0xFFFFFFFF;
	p2 =	slt.u32 s8, $0xFFFFF086  }
0x1c: {  	p1 =	slt.u32 s9, $0xF7A;
	s5 =	simm.s32 @!p2 $0x0  }
0x1d: {  	s5 =	simm.s32 @p1 $0x1;
	p0 =	seq.s32 s7, s2  }
0x1e: {  	s7 =	smul.u32 @!p0 $0xF7A, s2;
	p2 =	seq.s32 @!p0 s5, $0x0  }
0x1f: {  	s9 =	smul.u32 $0xF7A, s1;
	s8 =	simm.s32 @!p0 $0x1BF5;
	p2 =	por !p2, p0  }
0x20: {  	[sflag:s8] =	ssyncset.s32 @!p0 $0xFFFFF086;
	s6 =	sadd.s32 @!p0 s3, s7;
	s7 =	simm.s32 @!p0 $0x108  }
0x21: {  	s3 =	sadd.s32 s3, s9;
	s6 =	sadd.s32 @!p0 $0x88, s6;
	s7 =	simm.s32 @p2 $0x1082  }
0x22: {  	[simem:s7], [sflag:s8] =	dma.local @!p0 [hbm:s6], $0xF7A  }
0x23: {  	s9 =	sor.u32 $0xD0000000, s2;
	s6 =	simm.s32 $0x108;
	_ =	swait.ge @!p0 [sflag:s8], $0x0  }
0x24: {  	s3 =	sadd.s32 $0x88, s3;
	s6 =	simm.s32 @!p1 $0x1082;
	[sflag:s4] =	ssyncset.s32 $0xFFFFF086  }
0x25: {  	[simem:s6], [sflag:s4] =	dma.local [hbm:s3], $0xF7A  }
0x26: {  	[smem:$0x3F99] =	sst s1;
	(tag) =	ssettag s2;
	_ =	strace s9  }
0x27: {  	s1 =	sld [smem:$0x3FA9]  }
0x28: {  	s2 =	sld [smem:$0x3FAA]  }
0x29: {  	s4 =	sld [smem:$0x3FAC]  }
0x2a: {  	p0 =	seq.s32 s5, $0x0;
	s5 =	sld [smem:$0x3FAD]  }
0x2b: {  	s6 =	sld [smem:$0x3FAE]  }
0x2c: {  	s7 =	sld [smem:$0x3FAF]  }
0x2d: {  	s3 =	simm.s32 $0x108;
	s8 =	sld [smem:$0x3FB0]  }
0x2e: {  	s3 =	simm.s32 @!p0 $0x1082;
	s9 =	sld [smem:$0x3FB1]  }
0x2f: {  	lr =	sadd.s32 s0, s3;
	s0 =	sld [smem:$0x3FA8]  }
0x30: {  	s3 =	sld [smem:$0x3FAB]  }
0x31: {  	[smem:$0x3FB4] =	sst s10  }
0x32: {  	s10 =	sld [smem:$0x3FB2];
	_ =	sdelay $0x3  }
0x33: {  	p0 =	seq.s32 s10, $0x1;
	s10 =	sld [smem:$0x3FB4];
	_ =	sdelay $0x3  }
0x34: {  	[smem:$0x3FB4] =	sst s10  }
0x35: {  	s10 =	sld [smem:$0x3FB3];
	_ =	sdelay $0x3  }
0x36: {  	p1 =	seq.s32 s10, $0x1;
	s10 =	sld [smem:$0x3FB4];
	_ =	sdelay $0x3  }
0x37: {  	[smem:$0x3FB4] =	sst s10  }
0x38: {  	s10 =	sld [smem:$0x3FB5]  }
0x39: {  	_ = 	snop;
	(pc) =	sbr.ind lr, $3  }
0x3a: {  	_ = 	snop  }
0x3b: {  	_ = 	snop  }
0x3c: {  	p2 =	seq.s32 s10, $0x1;
	s10 =	sld [smem:$0x3FB4]  }
0x3d: {  	_ =	shalt  }
0x3e: {  	_ =	shalt  }
0x3f: {  	_ =	shalt  }
0x40: {  	_ =	shalt  }
0x41: {  	_ =	shalt  }
0x42: {  	_ =	shalt  }
0x43: {  	_ =	shalt  }
0x44: {  	_ =	shalt  }
0x45: {  	_ =	shalt  }
0x46: {  	_ =	shalt  }
0x47: {  	_ =	shalt  }
0x48: {  	_ =	shalt  }
0x49: {  	_ =	shalt  }
0x4a: {  	_ =	shalt  }
0x4b: {  	_ =	shalt  }
0x4c: {  	_ =	shalt  }
0x4d: {  	_ =	shalt  }
0x4e: {  	_ =	shalt  }
0x4f: {  	_ =	shalt  }
0x50: {  	_ =	shalt  }
0x51: {  	_ =	shalt  }
0x52: {  	_ =	shalt  }
0x53: {  	_ =	shalt  }
0x54: {  	_ =	shalt  }
0x55: {  	_ =	shalt  }
0x56: {  	_ =	shalt  }
0x57: {  	_ =	shalt  }
0x58: {  	_ =	shalt  }
0x59: {  	_ =	shalt  }
0x5a: {  	_ =	shalt  }
0x5b: {  	_ =	shalt  }
0x5c: {  	_ =	shalt  }
0x5d: {  	_ =	shalt  }
0x5e: {  	_ =	shalt  }
0x5f: {  	_ =	shalt  }
0x60: {  	_ =	shalt  }
0x61: {  	_ =	shalt  }
0x62: {  	_ =	shalt  }
0x63: {  	_ =	shalt  }
0x64: {  	_ =	shalt  }
0x65: {  	_ =	shalt  }
0x66: {  	_ =	shalt  }
0x67: {  	_ =	shalt  }
0x68: {  	_ =	shalt  }
0x69: {  	_ =	shalt  }
0x6a: {  	_ =	shalt  }
0x6b: {  	_ =	shalt  }
0x6c: {  	_ =	shalt  }
0x6d: {  	_ =	shalt  }
0x6e: {  	_ =	shalt  }
0x6f: {  	_ =	shalt  }
0x70: {  	_ =	shalt  }
0x71: {  	_ =	shalt  }
0x72: {  	_ =	shalt  }
0x73: {  	_ =	shalt  }
0x74: {  	_ =	shalt  }
0x75: {  	_ =	shalt  }
0x76: {  	_ =	shalt  }
0x77: {  	_ =	shalt  }
0x78: {  	_ =	shalt  }
0x79: {  	_ =	shalt  }
0x7a: {  	_ =	shalt  }
0x7b: {  	_ =	shalt  }
0x7c: {  	_ =	shalt  }
0x7d: {  	_ =	shalt  }
0x7e: {  	_ =	shalt  }
0x7f: {  	_ =	shalt  }
0x80: {  	_ =	shalt  }
0x81: {  	_ =	shalt  }
0x82: {  	_ =	shalt  }
0x83: {  	_ =	shalt  }
0x84: {  	_ =	shalt  }
0x85: {  	_ =	shalt  }
0x86: {  	_ =	shalt  }
0x87: {  	_ =	shalt  }
.Lfunc_end0:
.L_simem_size_0:
called_computation_lowered:
.L_overlay_start_0:
0x88: {  	s2 =	sld [smem:$0x3FD9]  }
0x89: {  	s3 =	sld [smem:$0x3FFE];
	_ =	sdelay $0x1  }
0x8a: {  	s1 =	srdreg.scid  }
0x8b: {  	s0 =	sand.u32 $0x1, s1  }
0x8c: {  	s17 =	sshll.u32 s0, $0xA;
	s2 =	sadd.s32 s3, s2  }
0x8d: {  	s2 =	sadd.s32 s2, s17  }
0x8e: {  	[smem:$0x3FC0] =	sst s2  }
0x8f: {  	_ = 	snop  }
0x90: {  	s2 =	sld [smem:$0x3FD0];
	(tm) =	ssettm $0x1  }
0x91: {  	s18 =	sld [smem:$0x3FFB];
	_ =	sdelay $0x3  }
0x92: {  	_ =	strace s18  }
0x93: {  	s3 =	sld [smem:$0x3FFC];
	_ =	sdelay $0x3  }
0x94: {  	_ =	strace s3  }
0x95: {  	s3 =	sld [smem:$0x3FFD];
	_ =	sdelay $0x3  }
0x96: {  	_ =	strace s3  }
0x97: {  	_ =	strace $0x8FFFFFFF  }
0x98: {  	s19 =	sld [smem:$0x3FDB];
	_ =	sdelay $0x1  }
0x99: {  	s4 =	simm.s32 $_scs_section_size  }
0x9a: {  	s5 =	simm.s32 $_size__tile_overlayer_lowered;
	s6 =	simm.s32 $_tile_overlayer_lowered  }
0x9b: {  	s22 =	simm.s32 $0x1BFF;
	s21 =	sshll.u32 s6, $0x1;
	s3 =	sadd.s32 s4, s19  }
0x9c: {  	s7 =	simm.s32 $0x0;
	s20 =	sshll.u32 s5, $0x1;
	s5 =	sadd.s32 s21, s3  }
0x9d: {  	[timem:s7], [sflag:s22] =	dma.local [hbm:s5], s20  }
0x9e: {  	_ =	swait.ge [sflag:s22], s20  }
0x9f: {  	s4 =	ssub.s32 $0x0, s20;
	[sflag:s22] =	ssyncset.done $0x0  }
0xa0: {  	[sflag:s22] =	ssyncadd.s32 s4;
	_ =	sdelay $0x1  }
0xa1: {  	s23 =	simm.s32 $0x1B8B  }
0xa2: {  	_ =	swait.ge [sflag:s23], $0x1  }
0xa3: {  	[sflag:s23] =	ssyncset.done $0x0  }
0xa4: {  	s25 =	simm.s32 $0x1B8E;
	s24 =	sld [smem:$0x3FFE];
	[sflag:s23] =	ssyncadd.s32 $0xFFFFFFFF  }
0xa5: {  	s26 =	simm.s32 $execute0_lowered;
	[smem:$0x3FD2] =	sst s25  }
0xa6: {  	s5 =	sshll.u32 s26, $0x1;
	_ =	strace $0x80000046;
	[dreg:$0x1] =	wrdreg $0xFFFFFFFF  }
0xa7: {  	s28 =	simm.s32 $_size_execute0_lowered;
	s3 =	sadd.s32 s3, s5;
	[dreg:$0x0] =	wrdreg $0x0  }
0xa8: {  	s5 =	sshll.u32 s28, $0x1;
	[dreg:$0x2] =	wrdreg s3  }
0xa9: {  	[dreg:$0x3] =	wrdreg s5  }
0xaa: {  	[dreg:$0x4] =	wrdreg $0xC0  }
0xab: {  	_ =	task [dreg:s7], $0x5FFFF  }
0xac: {  	[dreg:$0x1] =	wrdreg $0xFFFFFFFF  }
0xad: {  	[dreg:$0x0] =	wrdreg $0x60  }
0xae: {  	[dreg:$0x2] =	wrdreg s24  }
0xaf: {  	[dreg:$0x3] =	wrdreg s2  }
0xb0: {  	[dreg:$0x4] =	wrdreg $0x41800  }
0xb1: {  	[dreg:$0x5] =	wrdreg $0x9  }
0xb2: {  	_ =	task.clear_ibuf [dreg:s7], $0x6FFFF;
	_ =	strace $0x90000046  }
0xb3: {  	s29 =	simm.s32 $0x9;
	_ =	strace $0x80000048  }
0xb4: {  	_ =	swait.ge [sflag:s29], $0x1  }
0xb5: {  	[sflag:s29] =	ssyncadd.s32 $0xFFFFFFFF  }
0xb6: {  	_ =	strace $0x90000048  }
0xb7: {  	_ =	sfence  }
0xb8: {  	s30 =	sld [smem:$0x0];
	_ =	sdelay $0x2  }
0xb9: {  	s31 =	sshll.u32 s1, $0xD;
	s1 =	sshrl.u32 s1, $0x2  }
0xba: {  	s3 =	sand.u32 $0x4000, s31;
	s1 =	sadd.s32 s1, s30  }
0xbb: {  	s0 =	sor.u32 s3, s0;
	s1 =	sshll.u32 s1, $0x11  }
0xbc: {  	s0 =	sor.u32 s1, s0  }
0xbd: {  	s0 =	sadd.s32 $0x8F2B, s0  }
0xbe: {  	[sflag:s0] =	ssyncadd.remote.s32 $0x1  }
0xbf: {  	_ =	sfence.sel $0xFFFF  }
0xc0: {  	[dreg:$0x0] =	wrdreg $0xFFFFFFFF;
	(pc) =	sbr.abs _section_cstart, $3  }
0xc1: {  	[dreg:$0x1] =	wrdreg $0xFFFFFFFF  }
0xc2: {  	_ =	task.clear_ibuf [dreg:s7], $0x2FFFF;
	_ =	strace $0x9FFFFFFF  }
0xc3: {  	(tm) =	ssettm $0x7FFFFFFF  }
tec
execute0_lowered:
.L_overlay_start_1:
0x0: {  	(tag) =	ssettag $0x1  }
0x1: {  	s4 =	rddreg [dreg:$0x0]  }
0x2: {  	s12 =	rddreg [dreg:$0x1]  }
0x3: {  	s2 =	rddreg [dreg:$0x2];
	s1 =	stileid.u32  }
0x4: {  	s0 =	rddreg [dreg:$0x3];
	s3 =	simm.s32 $0x0;
	s6 =	srdreg.scid  }
0x5: {  	s16 =	simm.s32 $0x100;
	s17 =	simm.s32 $0x180;
	s13 =	smul.u32 $0x4F0, s1  }
0x6: {  	s18 =	simm.s32 $0x1;
	s19 =	simm.s32 $0x0;
	s5 =	smul.u32 $0x2800, s1  }
0x7: {  	[smem:$0x7FF] =	sst s3;
	s14 =	sand.u32 $0x1, s6;
	s30 =	smul.u32 $0x50000, s1  }
0x8: {  	_ =	strace $0x80000047;
	s7 =	ssub.s32 $0x2, s14;
	p0 =	sne.s32 s14, $0x0  }
0x9: {  	s14 =	simm.s32 $0x2;
	s15 =	sadd.s32 s13, s4;
	s5 =	sadd.s32 s5, s4  }
.Ltmp0:
0xa: {  	s31 =	sshrl.u32 s7, $0x1;
	s6 =	sshrl.u32 s30, $0x2;
	(pc) =	sbr.rel .LBB2_1-.Ltmp0, $4  }
0xb: {  	s12 =	sadd.s32 s13, s12;
	s7 =	ssub.s32 s7, s31;
	s4 =	sadd.s32 s6, s2  }
0xc: {  	s5 =	sadd.s32 $0x9600, s5;
	s11 =	sadd.s32 $0x31600, s15;
	s13 =	sadd.s32 $0x4600, s15  }
0xd: {  	s15 =	simm.s32 $0x80;
	s6 =	smax.u32 s7, $0x1;
	s7 =	sadd.s32 $0x4000, s4  }
0xe: {  	v0 =	vimm.f32 $0.0e+00;
	v1 =	vimm.f32 $1.000000000e+00;
	s8 =	sadd.s32 $0x8000, s4;
	s9 =	sadd.s32 $0xC000, s4;
	s10 =	sadd.s32 $0x10000, s4  }
.LBB2_13:
0xf: {  	s20 =	sshll.u32 s1, $0x6  }
0x10: {  	[bflag:$0x0] =	sbarrier.arrive $0xFFFF;
	s21 =	sshrl.u32 s4, $0x3;
	s20 =	sor.u32 $0x1C01, s20  }
0x11: {  	[hbm:s5], [sflag:s20] =	dma.local [spmem:s21], $0x2800  }
0x12: {  	_ =	swait.ge [sflag:s18], $0x2800  }
0x13: {  	[sflag:s18] =	ssyncset.done $0x0  }
0x14: {  	[sflag:s18] =	ssyncadd.s32 $0xFFFFD800  }
.LBB2_14:
0x15: {  	s19 =	sadd.s32 $0x1, s19  }
0x16: {  	p1 =	sne.s32 s19, s6  }
.Ltmp1:
0x17: {  	_ = 	snop;
	(pc) =	sbr.rel @!p1 .LBB2_15-.Ltmp1, $1  }
0x18: {  	_ =	sdelay $0x3  }
.LBB2_1:
0x19: {  	s20 =	simm.s32 $0x0;
	s21 =	simm.s32 $0x200  }
.LBB2_2:
0x1a: {  	p1 =	sne.s32 s21, $0xFE00;
	[tilespmem:s20+$0x1F0] =	vst v0  }
0x1b: {  	[tilespmem:s20+$0x180] =	vst v0  }
0x1c: {  	[tilespmem:s20+$0x190] =	vst v0  }
.Ltmp2:
0x1d: {  	[tilespmem:s20+$0x1A0] =	vst v0;
	(pc) =	sbr.rel @p1 .LBB2_2-.Ltmp2, $4  }
0x1e: {  	[tilespmem:s20+$0x1B0] =	vst v0  }
0x1f: {  	[tilespmem:s20+$0x1C0] =	vst v0  }
0x20: {  	[tilespmem:s20+$0x1D0] =	vst v0  }
0x21: {  	[tilespmem:s20+$0x1E0] =	vst v0;
	s20 =	sshra.s32 s21, $0x2;
	s21 =	sadd.s32 $0x200, s21  }
0x22: {  	[tilespmem:s20+$0x1F0] =	vst v0  }
0x23: {  	[tilespmem:s20+$0x180] =	vst v0  }
0x24: {  	[tilespmem:s20+$0x190] =	vst v0  }
0x25: {  	[tilespmem:s20+$0x1A0] =	vst v0  }
0x26: {  	[tilespmem:s20+$0x1B0] =	vst v0  }
0x27: {  	[tilespmem:s20+$0x1C0] =	vst v0  }
0x28: {  	[tilespmem:s20+$0x1D0] =	vst v0  }
0x29: {  	[tilespmem:s20+$0x1E0] =	vst v0;
	s20 =	simm.s32 @!p0 $0x180;
	s21 =	simm.s32 @!p0 $0x1  }
0x2a: {  	[spmem:s4] =	stream.linear.scatter @!p0 [tilespmem:s20], [sflag:$0x1], $0x4000, $0x38;
	[tilespmem:$0x18180] =	vst v63  }
0x2b: {  	_ =	swait.ge @!p0 [sflag:s21], $0x4000  }
0x2c: {  	[sflag:s21] =	ssyncset.done @!p0 $0x0  }
0x2d: {  	[sflag:s21] =	ssyncadd.s32 @!p0 $0xFFFFC000  }
0x2e: {  	[spmem:s7] =	stream.linear.scatter @!p0 [tilespmem:s20], [sflag:$0x1], $0x4000, $0x38;
	[tilespmem:$0x18180] =	vst v63  }
0x2f: {  	_ =	swait.ge @!p0 [sflag:s21], $0x4000  }
0x30: {  	[sflag:s21] =	ssyncset.done @!p0 $0x0  }
0x31: {  	[sflag:s21] =	ssyncadd.s32 @!p0 $0xFFFFC000  }
0x32: {  	[spmem:s8] =	stream.linear.scatter @!p0 [tilespmem:s20], [sflag:$0x1], $0x4000, $0x38;
	[tilespmem:$0x18180] =	vst v63  }
0x33: {  	_ =	swait.ge @!p0 [sflag:s21], $0x4000  }
0x34: {  	[sflag:s21] =	ssyncset.done @!p0 $0x0  }
0x35: {  	[sflag:s21] =	ssyncadd.s32 @!p0 $0xFFFFC000  }
0x36: {  	[spmem:s9] =	stream.linear.scatter @!p0 [tilespmem:s20], [sflag:$0x1], $0x4000, $0x38;
	[tilespmem:$0x18180] =	vst v63  }
0x37: {  	_ =	swait.ge @!p0 [sflag:s21], $0x4000  }
0x38: {  	[sflag:s21] =	ssyncset.done @!p0 $0x0  }
0x39: {  	[sflag:s21] =	ssyncadd.s32 @!p0 $0xFFFFC000  }
0x3a: {  	[spmem:s10] =	stream.linear.scatter @!p0 [tilespmem:s20], [sflag:$0x1], $0x4000, $0x38;
	[tilespmem:$0x18180] =	vst v63  }
0x3b: {  	_ =	swait.ge @!p0 [sflag:s21], $0x4000  }
0x3c: {  	[sflag:s21] =	ssyncset.done @!p0 $0x0  }
0x3d: {  	s20 =	simm.s32 $0x0;
	[sflag:s21] =	ssyncadd.s32 @!p0 $0xFFFFC000;
	s21 =	simm.s32 $0x200  }
.LBB2_4:
0x3e: {  	p1 =	sne.s32 s21, $0xFE00;
	[tilespmem:s20+$0x1F0] =	vst v1  }
0x3f: {  	[tilespmem:s20+$0x180] =	vst v1  }
0x40: {  	[tilespmem:s20+$0x190] =	vst v1  }
.Ltmp3:
0x41: {  	[tilespmem:s20+$0x1A0] =	vst v1;
	(pc) =	sbr.rel @p1 .LBB2_4-.Ltmp3, $4  }
0x42: {  	[tilespmem:s20+$0x1B0] =	vst v1  }
0x43: {  	[tilespmem:s20+$0x1C0] =	vst v1  }
0x44: {  	[tilespmem:s20+$0x1D0] =	vst v1  }
0x45: {  	[tilespmem:s20+$0x1E0] =	vst v1;
	s20 =	sshra.s32 s21, $0x2;
	s21 =	sadd.s32 $0x200, s21  }
0x46: {  	[tilespmem:s20+$0x1F0] =	vst v1  }
0x47: {  	[tilespmem:s20+$0x180] =	vst v1  }
0x48: {  	[tilespmem:s20+$0x190] =	vst v1  }
0x49: {  	[tilespmem:s20+$0x1A0] =	vst v1  }
0x4a: {  	[tilespmem:s20+$0x1B0] =	vst v1  }
.Ltmp4:
0x4b: {  	[tilespmem:s20+$0x1C0] =	vst v1;
	(pc) =	sbr.rel .LBB2_6-.Ltmp4, $4  }
0x4c: {  	[tilespmem:s20+$0x1D0] =	vst v1  }
0x4d: {  	[tilespmem:s20+$0x1E0] =	vst v1  }
0x4e: {  	s20 =	simm.s32 $0x0;
	s21 =	simm.s32 $0x4E;
	[bflag:$0x0] =	sbarrier.arrive $0xFFFF  }
0x4f: {  	s22 =	smov.u32 s13;
	s23 =	smov.u32 s12;
	s24 =	smov.u32 s11  }
.LBB2_9:
0x50: {  	s21 =	sadd.s32 $0xFFFFFFFF, s21  }
0x51: {  	s24 =	sadd.s32 $0x10, s24;
	s23 =	sadd.s32 $0x10, s23;
	s22 =	sadd.s32 $0x10, s22  }
.LBB2_6:
0x52: {  	[tilespmem:s3], [sflag:$0x2] =	stream.linear.gather [hbm4b:s22+s3], $0x80, $0x38;
	[tilespmem:$0x18180] =	vst v63  }
0x53: {  	_ =	swait.ge [sflag:s14], $0x80  }
0x54: {  	[sflag:s14] =	ssyncset.done $0x0  }
0x55: {  	[sflag:s14] =	ssyncadd.s32 $0xFFFFFF80  }
0x56: {  	[tilespmem:s15], [sflag:$0x2] =	stream.linear.gather [hbm4b:s23+s3], $0x80, $0x38;
	[tilespmem:$0x18180] =	vst v63  }
0x57: {  	_ =	swait.ge [sflag:s14], $0x80  }
0x58: {  	[sflag:s14] =	ssyncset.done $0x0  }
0x59: {  	[sflag:s14] =	ssyncadd.s32 $0xFFFFFF80  }
0x5a: {  	v2 =	vld [tilespmem:$0x0]  }
0x5b: {  	v3 =	vld [tilespmem:$0x80]  }
.Ltmp5:
0x5c: {  	_ = 	snop;
	(pc) =	sbr.rel @p0 .LBB2_10-.Ltmp5, $2  }
0x5d: {  	_ =	sdelay $0x2  }
0x5e: {  	vm0 =	veq.s32 v2, v3  }
0x5f: {  	v3 =	vld [tilespmem:$0x10]  }
0x60: {  	v4 =	vld [tilespmem:$0x90]  }
0x61: {  	v5 =	vld [tilespmem:$0x20]  }
0x62: {  	v6 =	vld [tilespmem:$0xA0]  }
0x63: {  	v7 =	vld [tilespmem:$0x30]  }
0x64: {  	v8 =	vld [tilespmem:$0xB0]  }
0x65: {  	v9 =	vld [tilespmem:$0x40]  }
0x66: {  	v10 =	vld [tilespmem:$0xC0]  }
0x67: {  	v11 =	vld [tilespmem:$0x50]  }
0x68: {  	v12 =	vld [tilespmem:$0xD0]  }
0x69: {  	v13 =	vld [tilespmem:$0x60]  }
0x6a: {  	v14 =	vld [tilespmem:$0xE0]  }
0x6b: {  	v2 =	vsel vm0, $0x2710, v2;
	v63 =	vld [tilespmem:$0x70];
	vm9 =	veq.s32 v3, v4  }
0x6c: {  	[tilespmem:$0x100] =	vst v2;
	vm10 =	veq.s32 v5, v6;
	v2 =	vsel vm9, $0x2710, v3;
	v3 =	vld [tilespmem:$0xF0]  }
0x6d: {  	vm11 =	veq.s32 v7, v8;
	[tilespmem:$0x110] =	vst v2;
	v2 =	vsel vm10, $0x2710, v5  }
0x6e: {  	vm12 =	veq.s32 v9, v10;
	[tilespmem:$0x120] =	vst v2;
	v2 =	vsel vm11, $0x2710, v7  }
0x6f: {  	vm13 =	veq.s32 v11, v12;
	[tilespmem:$0x130] =	vst v2;
	v2 =	vsel vm12, $0x2710, v9  }
0x70: {  	vm14 =	veq.s32 v13, v14;
	[tilespmem:$0x140] =	vst v2;
	v2 =	vsel vm13, $0x2710, v11  }
0x71: {  	[tilespmem:$0x150] =	vst v2;
	v2 =	vsel vm14, $0x2710, v13;
	vm15 =	veq.s32 v63, v3  }
0x72: {  	p1 =	seq.s32 s21, $0x0;
	[tilespmem:$0x160] =	vst v2;
	v2 =	vsel vm15, $0x2710, v63  }
.Ltmp6:
0x73: {  	[tilespmem:$0x170] =	vst v2;
	(pc) =	sbr.rel @p1 .LBB2_13-.Ltmp6, $4  }
0x74: {  	[spmem:s2] =	stream.indirect.scatter.add.f32 [tilespmem:s17], [sflag:$0x2], $0x80, s16, s15, $0xb8;
	[tilespmem:$0x18180] =	vst v63  }
0x75: {  	_ =	swait.ge [sflag:s14], $0x4000  }
0x76: {  	[sflag:s14] =	ssyncset.done $0x0  }
0x77: {  	[sflag:s14] =	ssyncadd.s32 $0xFFFFC000  }
.Ltmp7:
0x78: {  	(pc) =	sbr.rel .LBB2_9-.Ltmp7, $2  }
0x79: {  	_ =	sdelay $0x2  }
0x7a: {  	s20 =	sadd.s32 $0x1, s20  }
.LBB2_10:
0x7b: {  	v2 =	vld [tilespmem:$0x10]  }
0x7c: {  	v4 =	vld [tilespmem:$0x90]  }
0x7d: {  	v5 =	vld [tilespmem:$0x20]  }
0x7e: {  	v6 =	vld [tilespmem:$0xA0]  }
0x7f: {  	v7 =	vld [tilespmem:$0x30]  }
0x80: {  	v8 =	vld [tilespmem:$0xB0]  }
0x81: {  	v9 =	vld [tilespmem:$0x40]  }
0x82: {  	v10 =	vld [tilespmem:$0xC0]  }
0x83: {  	v11 =	vld [tilespmem:$0x50]  }
0x84: {  	v12 =	vld [tilespmem:$0xD0]  }
0x85: {  	v13 =	vld [tilespmem:$0x60]  }
0x86: {  	v14 =	vld [tilespmem:$0xE0]  }
0x87: {  	v3 =	vsel vm0, $0x2710, v3;
	v63 =	vld [tilespmem:$0xF0];
	vm9 =	veq.s32 v2, v4  }
0x88: {  	[tilespmem:$0x100] =	vst v3;
	v2 =	vld [tilespmem:$0x70];
	vm10 =	veq.s32 v5, v6;
	v3 =	vsel vm9, $0x2710, v4  }
0x89: {  	vm11 =	veq.s32 v7, v8;
	[tilespmem:$0x110] =	vst v3;
	v3 =	vsel vm10, $0x2710, v6  }
0x8a: {  	vm12 =	veq.s32 v9, v10;
	[tilespmem:$0x120] =	vst v3;
	v3 =	vsel vm11, $0x2710, v8  }
0x8b: {  	vm13 =	veq.s32 v11, v12;
	[tilespmem:$0x130] =	vst v3;
	v3 =	vsel vm12, $0x2710, v10  }
0x8c: {  	vm14 =	veq.s32 v13, v14;
	[tilespmem:$0x140] =	vst v3;
	v3 =	vsel vm13, $0x2710, v12  }
0x8d: {  	vm15 =	veq.s32 v2, v63;
	[tilespmem:$0x150] =	vst v3;
	v3 =	vsel vm14, $0x2710, v14  }
0x8e: {  	p1 =	sne.s32 s21, $0x0;
	v2 =	vsel vm15, $0x2710, v63;
	[tilespmem:$0x160] =	vst v3  }
.Ltmp8:
0x8f: {  	[tilespmem:$0x170] =	vst v2;
	(pc) =	sbr.rel @!p1 .LBB2_12-.Ltmp8, $4  }
0x90: {  	[hbm4b:s24+s3] =	stream.linear.scatter [tilespmem:s16], [sflag:$0x1], $0x80, $0x38;
	[tilespmem:$0x18180] =	vst v63  }
0x91: {  	_ =	swait.ge [sflag:s18], $0x80  }
0x92: {  	[sflag:s18] =	ssyncset.done $0x0  }
0x93: {  	[sflag:s18] =	ssyncadd.s32 $0xFFFFFF80  }
.Ltmp9:
0x94: {  	(pc) =	sbr.rel .LBB2_9-.Ltmp9, $2  }
0x95: {  	_ =	sdelay $0x2  }
0x96: {  	s20 =	sadd.s32 $0x1, s20  }
.LBB2_12:
.Ltmp10:
0x97: {  	(pc) =	sbr.rel .LBB2_14-.Ltmp10, $2  }
0x98: {  	_ =	sdelay $0x1  }
0x99: {  	[bflag:$0x0] =	sbarrier.arrive $0xFFFF;
	_ =	sdelay $0x1  }
.LBB2_15:
0x9a: {  	_ =	sfence.sel $0x180000  }
0x9b: {  	[bflag:$0x0] =	sbarrier.arrive $0xFFFF  }
0x9c: {  	p0 =	sne.s32 s1, $0x0;
	_ =	strace $0x90000047  }
0x9d: {  	s0 =	sadd.s32 @!p0 $0x100000, s0;
	[bflag:$0x2] =	sbarrier.arrive $0xFFFF  }
0x9e: {  	[sflag:s0] =	ssyncadd.tile.s32 @!p0 $0x1;
	_ =	shalt  }
.Lfunc_end2:
_tile_overlayer_lowered:
.L_overlay_start_2:
0x9f: {  	(tag) =	ssettag $0x2  }
0xa0: {  	s0 =	rddreg [dreg:$0x0];
	s2 =	stileid.u32  }
0xa1: {  	s1 =	rddreg [dreg:$0x1];
	p0 =	sne.s32 s2, $0x0  }
0xa2: {  	s3 =	rddreg [dreg:$0x2];
	[bflag:$0x3] =	sbarrier.arrive $0xFFFF;
	s2 =	simm.s32 @!p0 $0x1C01  }
0xa3: {  	[timem:s3], [sflag:s2] =	dma.local @!p0 [hbm:s0], s1  }
0xa4: {  	s0 =	simm.s32 @!p0 $0x1  }
0xa5: {  	_ =	swait.ge @!p0 [sflag:s0], s1  }
0xa6: {  	s1 =	ssub.s32 @!p0 $0x0, s1;
	[sflag:s0] =	ssyncset.done @!p0 $0x0  }
0xa7: {  	[sflag:s0] =	ssyncadd.s32 @!p0 s1  }
0xa8: {  	[bflag:$0x3] =	sbarrier.arrive $0xFFFF  }
0xa9: {  	_ =	shalt  }

// kernel: kernel.13.cloned.1.call-start
scs
__scs_entry_jumppad:
0x0: {  	(pc) =	sbr.rel $0x88, $3  }
0x1: {  	(tag) =	ssettag $0x0;
	lr =	simm.s32 $0x1  }
0x2: {  	[smem:$0x3F99] =	sst lr;
	_ =	strace $0xD0000000  }
0x3: {  	_ = 	snop  }
0x4: {  	_ = 	snop  }
0x5: {  	_ = 	snop  }
0x6: {  	_ = 	snop  }
0x7: {  	_ = 	snop  }
__scs_overlays_trampoline_lowered:
0x8: {  	[smem:$0x3FA8] =	sst s0  }
0x9: {  	[smem:$0x3FA9] =	sst s1  }
0xa: {  	[smem:$0x3FAA] =	sst s2  }
0xb: {  	[smem:$0x3FAB] =	sst s3  }
0xc: {  	[smem:$0x3FAC] =	sst s4  }
0xd: {  	[smem:$0x3FAD] =	sst s5  }
0xe: {  	[smem:$0x3FAE] =	sst s6  }
0xf: {  	[smem:$0x3FAF] =	sst s7  }
0x10: {  	[smem:$0x3FB0] =	sst s8  }
0x11: {  	[smem:$0x3FB1] =	sst s9;
	s0 =	simm.s32 @!p0 $0x0  }
0x12: {  	s1 =	sld [smem:$0x3F97];
	s0 =	simm.s32 @p0 $0x1  }
0x13: {  	[smem:$0x3FB2] =	sst s0;
	s0 =	simm.s32 @!p1 $0x0  }
0x14: {  	s2 =	sld [smem:$0x3F96];
	s0 =	simm.s32 @p1 $0x1  }
0x15: {  	[smem:$0x3FB3] =	sst s0;
	s0 =	simm.s32 @!p2 $0x0  }
0x16: {  	s3 =	sld [smem:$0x3FDB];
	s0 =	simm.s32 @p2 $0x1  }
0x17: {  	s4 =	simm.s32 $0x1BF5;
	[smem:$0x3FB5] =	sst s0  }
0x18: {  	s0 =	sld [smem:$0x3F98];
	_ =	swait.ge [sflag:s4], $0x0  }
0x19: {  	s7 =	sld [smem:$0x3F99]  }
0x1a: {  	s8 =	sadd.s32 $0xFFFFE003, lr  }
0x1b: {  	s9 =	sadd.s32 $0xFFFFFEF7, lr;
	s5 =	simm.s32 $0xFFFFFFFF;
	p2 =	slt.u32 s8, $0xFFFFF086  }
0x1c: {  	p1 =	slt.u32 s9, $0xF7A;
	s5 =	simm.s32 @!p2 $0x0  }
0x1d: {  	s5 =	simm.s32 @p1 $0x1;
	p0 =	seq.s32 s7, s2  }
0x1e: {  	s7 =	smul.u32 @!p0 $0xF7A, s2;
	p2 =	seq.s32 @!p0 s5, $0x0  }
0x1f: {  	s9 =	smul.u32 $0xF7A, s1;
	s8 =	simm.s32 @!p0 $0x1BF5;
	p2 =	por !p2, p0  }
0x20: {  	[sflag:s8] =	ssyncset.s32 @!p0 $0xFFFFF086;
	s6 =	sadd.s32 @!p0 s3, s7;
	s7 =	simm.s32 @!p0 $0x108  }
0x21: {  	s3 =	sadd.s32 s3, s9;
	s6 =	sadd.s32 @!p0 $0x88, s6;
	s7 =	simm.s32 @p2 $0x1082  }
0x22: {  	[simem:s7], [sflag:s8] =	dma.local @!p0 [hbm:s6], $0xF7A  }
0x23: {  	s9 =	sor.u32 $0xD0000000, s2;
	s6 =	simm.s32 $0x108;
	_ =	swait.ge @!p0 [sflag:s8], $0x0  }
0x24: {  	s3 =	sadd.s32 $0x88, s3;
	s6 =	simm.s32 @!p1 $0x1082;
	[sflag:s4] =	ssyncset.s32 $0xFFFFF086  }
0x25: {  	[simem:s6], [sflag:s4] =	dma.local [hbm:s3], $0xF7A  }
0x26: {  	[smem:$0x3F99] =	sst s1;
	(tag) =	ssettag s2;
	_ =	strace s9  }
0x27: {  	s1 =	sld [smem:$0x3FA9]  }
0x28: {  	s2 =	sld [smem:$0x3FAA]  }
0x29: {  	s4 =	sld [smem:$0x3FAC]  }
0x2a: {  	p0 =	seq.s32 s5, $0x0;
	s5 =	sld [smem:$0x3FAD]  }
0x2b: {  	s6 =	sld [smem:$0x3FAE]  }
0x2c: {  	s7 =	sld [smem:$0x3FAF]  }
0x2d: {  	s3 =	simm.s32 $0x108;
	s8 =	sld [smem:$0x3FB0]  }
0x2e: {  	s3 =	simm.s32 @!p0 $0x1082;
	s9 =	sld [smem:$0x3FB1]  }
0x2f: {  	lr =	sadd.s32 s0, s3;
	s0 =	sld [smem:$0x3FA8]  }
0x30: {  	s3 =	sld [smem:$0x3FAB]  }
0x31: {  	[smem:$0x3FB4] =	sst s10  }
0x32: {  	s10 =	sld [smem:$0x3FB2];
	_ =	sdelay $0x3  }
0x33: {  	p0 =	seq.s32 s10, $0x1;
	s10 =	sld [smem:$0x3FB4];
	_ =	sdelay $0x3  }
0x34: {  	[smem:$0x3FB4] =	sst s10  }
0x35: {  	s10 =	sld [smem:$0x3FB3];
	_ =	sdelay $0x3  }
0x36: {  	p1 =	seq.s32 s10, $0x1;
	s10 =	sld [smem:$0x3FB4];
	_ =	sdelay $0x3  }
0x37: {  	[smem:$0x3FB4] =	sst s10  }
0x38: {  	s10 =	sld [smem:$0x3FB5]  }
0x39: {  	_ = 	snop;
	(pc) =	sbr.ind lr, $3  }
0x3a: {  	_ = 	snop  }
0x3b: {  	_ = 	snop  }
0x3c: {  	p2 =	seq.s32 s10, $0x1;
	s10 =	sld [smem:$0x3FB4]  }
0x3d: {  	_ =	shalt  }
0x3e: {  	_ =	shalt  }
0x3f: {  	_ =	shalt  }
0x40: {  	_ =	shalt  }
0x41: {  	_ =	shalt  }
0x42: {  	_ =	shalt  }
0x43: {  	_ =	shalt  }
0x44: {  	_ =	shalt  }
0x45: {  	_ =	shalt  }
0x46: {  	_ =	shalt  }
0x47: {  	_ =	shalt  }
0x48: {  	_ =	shalt  }
0x49: {  	_ =	shalt  }
0x4a: {  	_ =	shalt  }
0x4b: {  	_ =	shalt  }
0x4c: {  	_ =	shalt  }
0x4d: {  	_ =	shalt  }
0x4e: {  	_ =	shalt  }
0x4f: {  	_ =	shalt  }
0x50: {  	_ =	shalt  }
0x51: {  	_ =	shalt  }
0x52: {  	_ =	shalt  }
0x53: {  	_ =	shalt  }
0x54: {  	_ =	shalt  }
0x55: {  	_ =	shalt  }
0x56: {  	_ =	shalt  }
0x57: {  	_ =	shalt  }
0x58: {  	_ =	shalt  }
0x59: {  	_ =	shalt  }
0x5a: {  	_ =	shalt  }
0x5b: {  	_ =	shalt  }
0x5c: {  	_ =	shalt  }
0x5d: {  	_ =	shalt  }
0x5e: {  	_ =	shalt  }
0x5f: {  	_ =	shalt  }
0x60: {  	_ =	shalt  }
0x61: {  	_ =	shalt  }
0x62: {  	_ =	shalt  }
0x63: {  	_ =	shalt  }
0x64: {  	_ =	shalt  }
0x65: {  	_ =	shalt  }
0x66: {  	_ =	shalt  }
0x67: {  	_ =	shalt  }
0x68: {  	_ =	shalt  }
0x69: {  	_ =	shalt  }
0x6a: {  	_ =	shalt  }
0x6b: {  	_ =	shalt  }
0x6c: {  	_ =	shalt  }
0x6d: {  	_ =	shalt  }
0x6e: {  	_ =	shalt  }
0x6f: {  	_ =	shalt  }
0x70: {  	_ =	shalt  }
0x71: {  	_ =	shalt  }
0x72: {  	_ =	shalt  }
0x73: {  	_ =	shalt  }
0x74: {  	_ =	shalt  }
0x75: {  	_ =	shalt  }
0x76: {  	_ =	shalt  }
0x77: {  	_ =	shalt  }
0x78: {  	_ =	shalt  }
0x79: {  	_ =	shalt  }
0x7a: {  	_ =	shalt  }
0x7b: {  	_ =	shalt  }
0x7c: {  	_ =	shalt  }
0x7d: {  	_ =	shalt  }
0x7e: {  	_ =	shalt  }
0x7f: {  	_ =	shalt  }
0x80: {  	_ =	shalt  }
0x81: {  	_ =	shalt  }
0x82: {  	_ =	shalt  }
0x83: {  	_ =	shalt  }
0x84: {  	_ =	shalt  }
0x85: {  	_ =	shalt  }
0x86: {  	_ =	shalt  }
0x87: {  	_ =	shalt  }
.Lfunc_end0:
.L_simem_size_0:
called_computation.1_lowered:
.L_overlay_start_0:
0x88: {  	s2 =	sld [smem:$0x3FD9]  }
0x89: {  	s3 =	sld [smem:$0x3FFE];
	_ =	sdelay $0x1  }
0x8a: {  	s1 =	srdreg.scid  }
0x8b: {  	s0 =	sand.u32 $0x1, s1  }
0x8c: {  	s17 =	sshll.u32 s0, $0xA;
	s2 =	sadd.s32 s3, s2  }
0x8d: {  	s2 =	sadd.s32 s2, s17  }
0x8e: {  	[smem:$0x3FC0] =	sst s2  }
0x8f: {  	_ = 	snop  }
0x90: {  	s2 =	sld [smem:$0x3FD0];
	(tm) =	ssettm $0x1  }
0x91: {  	s18 =	sld [smem:$0x3FFB];
	_ =	sdelay $0x3  }
0x92: {  	_ =	strace s18  }
0x93: {  	s3 =	sld [smem:$0x3FFC];
	_ =	sdelay $0x3  }
0x94: {  	_ =	strace s3  }
0x95: {  	s3 =	sld [smem:$0x3FFD];
	_ =	sdelay $0x3  }
0x96: {  	_ =	strace s3  }
0x97: {  	_ =	strace $0x8FFFFFFF  }
0x98: {  	s19 =	sld [smem:$0x3FDB];
	_ =	sdelay $0x1  }
0x99: {  	s4 =	simm.s32 $_scs_section_size  }
0x9a: {  	s5 =	simm.s32 $_size__tile_overlayer_lowered;
	s6 =	simm.s32 $_tile_overlayer_lowered  }
0x9b: {  	s22 =	simm.s32 $0x1BFF;
	s21 =	sshll.u32 s6, $0x1;
	s3 =	sadd.s32 s4, s19  }
0x9c: {  	s7 =	simm.s32 $0x0;
	s20 =	sshll.u32 s5, $0x1;
	s5 =	sadd.s32 s21, s3  }
0x9d: {  	[timem:s7], [sflag:s22] =	dma.local [hbm:s5], s20  }
0x9e: {  	_ =	swait.ge [sflag:s22], s20  }
0x9f: {  	s4 =	ssub.s32 $0x0, s20;
	[sflag:s22] =	ssyncset.done $0x0  }
0xa0: {  	[sflag:s22] =	ssyncadd.s32 s4;
	_ =	sdelay $0x1  }
0xa1: {  	s23 =	simm.s32 $0x1B8B  }
0xa2: {  	_ =	swait.ge [sflag:s23], $0x1  }
0xa3: {  	[sflag:s23] =	ssyncset.done $0x0  }
0xa4: {  	s25 =	simm.s32 $0x1B8E;
	s24 =	sld [smem:$0x3FFE];
	[sflag:s23] =	ssyncadd.s32 $0xFFFFFFFF  }
0xa5: {  	s26 =	simm.s32 $execute0_lowered;
	[smem:$0x3FD2] =	sst s25  }
0xa6: {  	s5 =	sshll.u32 s26, $0x1;
	_ =	strace $0x80000049;
	[dreg:$0x1] =	wrdreg $0xFFFFFFFF  }
0xa7: {  	s28 =	simm.s32 $_size_execute0_lowered;
	s3 =	sadd.s32 s3, s5;
	[dreg:$0x0] =	wrdreg $0x0  }
0xa8: {  	s5 =	sshll.u32 s28, $0x1;
	[dreg:$0x2] =	wrdreg s3  }
0xa9: {  	[dreg:$0x3] =	wrdreg s5  }
0xaa: {  	[dreg:$0x4] =	wrdreg $0xC0  }
0xab: {  	_ =	task [dreg:s7], $0x5FFFF  }
0xac: {  	[dreg:$0x1] =	wrdreg $0xFFFFFFFF  }
0xad: {  	[dreg:$0x0] =	wrdreg $0x60  }
0xae: {  	[dreg:$0x2] =	wrdreg s24  }
0xaf: {  	[dreg:$0x3] =	wrdreg s2  }
0xb0: {  	[dreg:$0x4] =	wrdreg $0x41000  }
0xb1: {  	[dreg:$0x5] =	wrdreg $0x9  }
0xb2: {  	_ =	task.clear_ibuf [dreg:s7], $0x6FFFF;
	_ =	strace $0x90000049  }
0xb3: {  	s29 =	simm.s32 $0x9;
	_ =	strace $0x8000004B  }
0xb4: {  	_ =	swait.ge [sflag:s29], $0x1  }
0xb5: {  	[sflag:s29] =	ssyncadd.s32 $0xFFFFFFFF  }
0xb6: {  	_ =	strace $0x9000004B  }
0xb7: {  	_ =	sfence  }
0xb8: {  	s30 =	sld [smem:$0x0];
	_ =	sdelay $0x2  }
0xb9: {  	s31 =	sshll.u32 s1, $0xD;
	s1 =	sshrl.u32 s1, $0x2  }
0xba: {  	s3 =	sand.u32 $0x4000, s31;
	s1 =	sadd.s32 s1, s30  }
0xbb: {  	s0 =	sor.u32 s3, s0;
	s1 =	sshll.u32 s1, $0x11  }
0xbc: {  	s0 =	sor.u32 s1, s0  }
0xbd: {  	s0 =	sadd.s32 $0x8F2B, s0  }
0xbe: {  	[sflag:s0] =	ssyncadd.remote.s32 $0x1  }
0xbf: {  	_ =	sfence.sel $0xFFFF  }
0xc0: {  	[dreg:$0x0] =	wrdreg $0xFFFFFFFF;
	(pc) =	sbr.abs _section_cstart, $3  }
0xc1: {  	[dreg:$0x1] =	wrdreg $0xFFFFFFFF  }
0xc2: {  	_ =	task.clear_ibuf [dreg:s7], $0x2FFFF;
	_ =	strace $0x9FFFFFFF  }
0xc3: {  	(tm) =	ssettm $0x7FFFFFFF  }
tec
execute0_lowered:
.L_overlay_start_1:
0x0: {  	(tag) =	ssettag $0x1  }
0x1: {  	s5 =	rddreg [dreg:$0x0]  }
0x2: {  	s11 =	rddreg [dreg:$0x1]  }
0x3: {  	s2 =	rddreg [dreg:$0x2]  }
0x4: {  	s0 =	rddreg [dreg:$0x3];
	s3 =	simm.s32 $0x0  }
0x5: {  	s1 =	stileid.u32;
	s4 =	srdreg.scid;
	s16 =	simm.s32 $0x80  }
0x6: {  	s17 =	simm.s32 $0x1;
	s20 =	simm.s32 $0x0;
	[smem:$0x7FF] =	sst s3  }
0x7: {  	s6 =	smul.u32 $0x4F0, s1;
	s7 =	sand.u32 $0x1, s4;
	s4 =	sadd.s32 $0x36600, s5  }
0x8: {  	s9 =	smul.u32 $0x50000, s1;
	s12 =	sadd.s32 $0x5D800, s5;
	s14 =	sadd.s32 $0x84A00, s5  }
0x9: {  	s15 =	smul.u32 $0x2800, s1;
	s18 =	sshll.u32 s1, $0x6;
	_ =	strace $0x8000004A  }
0xa: {  	s8 =	ssub.s32 $0x2, s7;
	p0 =	seq.s32 s7, $0x1;
	s18 =	sor.u32 $0x1C02, s18  }
0xb: {  	s13 =	sadd.s32 s6, s5;
	s30 =	sshrl.u32 s8, $0x1;
	s31 =	sshrl.u32 s9, $0x2  }
0xc: {  	s11 =	smov.u32 @p0 s14;
	s4 =	smov.u32 @p0 s12;
	s14 =	simm.s32 $0x100  }
0xd: {  	s6 =	ssub.s32 s8, s30;
	s5 =	sadd.s32 s31, s2;
	s11 =	sadd.s32 s11, s15  }
0xe: {  	s12 =	sadd.s32 $0x31600, s13;
	s13 =	sadd.s32 $0x4600, s13;
	s15 =	simm.s32 $0x2  }
0xf: {  	s6 =	smax.u32 s6, $0x1;
	s7 =	sadd.s32 $0x4000, s5;
	s8 =	sadd.s32 $0x8000, s5  }
0x10: {  	v0 =	vimm.f32 $0.0e+00;
	s9 =	sadd.s32 $0xC000, s5;
	s10 =	sadd.s32 $0x10000, s5;
	s19 =	sshrl.u32 s5, $0x3  }
.LBB2_1:
0x11: {  	s21 =	simm.s32 $0x0;
	s22 =	simm.s32 $0x200  }
.LBB2_2:
0x12: {  	p0 =	sne.s32 s22, $0xFE00;
	[tilespmem:s21+$0x170] =	vst v0  }
0x13: {  	[tilespmem:s21+$0x100] =	vst v0  }
0x14: {  	[tilespmem:s21+$0x110] =	vst v0  }
.Ltmp0:
0x15: {  	[tilespmem:s21+$0x120] =	vst v0;
	(pc) =	sbr.rel @p0 .LBB2_2-.Ltmp0, $4  }
0x16: {  	[tilespmem:s21+$0x130] =	vst v0  }
0x17: {  	[tilespmem:s21+$0x140] =	vst v0  }
0x18: {  	[tilespmem:s21+$0x150] =	vst v0  }
0x19: {  	[tilespmem:s21+$0x160] =	vst v0;
	s21 =	sshra.s32 s22, $0x2;
	s22 =	sadd.s32 $0x200, s22  }
0x1a: {  	[tilespmem:s21+$0x170] =	vst v0  }
0x1b: {  	[tilespmem:s21+$0x100] =	vst v0  }
0x1c: {  	[tilespmem:s21+$0x110] =	vst v0  }
0x1d: {  	[tilespmem:s21+$0x120] =	vst v0  }
0x1e: {  	[tilespmem:s21+$0x130] =	vst v0  }
0x1f: {  	[tilespmem:s21+$0x140] =	vst v0  }
0x20: {  	[tilespmem:s21+$0x150] =	vst v0  }
0x21: {  	[tilespmem:s21+$0x160] =	vst v0  }
0x22: {  	[spmem:s5] =	stream.linear.scatter [tilespmem:s14], [sflag:$0x2], $0x4000, $0x38;
	[tilespmem:$0x18100] =	vst v63  }
0x23: {  	_ =	swait.ge [sflag:s15], $0x4000  }
0x24: {  	[sflag:s15] =	ssyncset.done $0x0  }
0x25: {  	[sflag:s15] =	ssyncadd.s32 $0xFFFFC000  }
0x26: {  	[spmem:s7] =	stream.linear.scatter [tilespmem:s14], [sflag:$0x2], $0x4000, $0x38;
	[tilespmem:$0x18100] =	vst v63  }
0x27: {  	_ =	swait.ge [sflag:s15], $0x4000  }
0x28: {  	[sflag:s15] =	ssyncset.done $0x0  }
0x29: {  	[sflag:s15] =	ssyncadd.s32 $0xFFFFC000  }
0x2a: {  	[spmem:s8] =	stream.linear.scatter [tilespmem:s14], [sflag:$0x2], $0x4000, $0x38;
	[tilespmem:$0x18100] =	vst v63  }
0x2b: {  	_ =	swait.ge [sflag:s15], $0x4000  }
0x2c: {  	[sflag:s15] =	ssyncset.done $0x0  }
0x2d: {  	[sflag:s15] =	ssyncadd.s32 $0xFFFFC000  }
0x2e: {  	[spmem:s9] =	stream.linear.scatter [tilespmem:s14], [sflag:$0x2], $0x4000, $0x38;
	[tilespmem:$0x18100] =	vst v63  }
0x2f: {  	_ =	swait.ge [sflag:s15], $0x4000  }
0x30: {  	[sflag:s15] =	ssyncset.done $0x0  }
0x31: {  	[sflag:s15] =	ssyncadd.s32 $0xFFFFC000  }
0x32: {  	[spmem:s10] =	stream.linear.scatter [tilespmem:s14], [sflag:$0x2], $0x4000, $0x38;
	[tilespmem:$0x18100] =	vst v63  }
0x33: {  	_ =	swait.ge [sflag:s15], $0x4000  }
0x34: {  	[sflag:s15] =	ssyncset.done $0x0  }
0x35: {  	[sflag:s15] =	ssyncadd.s32 $0xFFFFC000  }
0x36: {  	s30 =	sadd.s32 $0x0, s13;
	[bflag:$0x0] =	sbarrier.arrive $0xFFFF  }
0x37: {  	[tilespmem:s3], [sflag:$0x2] =	stream.linear.gather [hbm4b:s30+s3], $0x80, $0x38;
	[tilespmem:$0x18100] =	vst v63  }
0x38: {  	_ =	swait.ge [sflag:s15], $0x80  }
0x39: {  	[sflag:s15] =	ssyncset.done $0x0  }
0x3a: {  	s31 =	sadd.s32 $0x0, s12;
	[sflag:s15] =	ssyncadd.s32 $0xFFFFFF80  }
0x3b: {  	[tilespmem:s16], [sflag:$0x2] =	stream.linear.gather [hbm4b:s31+s3], $0x80, $0x38;
	[tilespmem:$0x18100] =	vst v63  }
0x3c: {  	_ =	swait.ge [sflag:s15], $0x80  }
0x3d: {  	[sflag:s15] =	ssyncset.done $0x0  }
0x3e: {  	[sflag:s15] =	ssyncadd.s32 $0xFFFFFF80  }
0x3f: {  	[tilespmem:s14], [sflag:$0x1] =	stream.indirect.gather [hbm4b:s4+s16], $0x80, s3, s16, $0xb8;
	[tilespmem:$0x18100] =	vst v63  }
0x40: {  	_ =	swait.ge [sflag:s17], $0x4000  }
0x41: {  	[sflag:s17] =	ssyncset.done $0x0  }
0x42: {  	[sflag:s17] =	ssyncadd.s32 $0xFFFFC000  }
0x43: {  	[spmem:s2] =	stream.indirect.scatter.add.f32 [tilespmem:s14], [sflag:$0x2], $0x80, s16, s16, $0xb8;
	[tilespmem:$0x18100] =	vst v63  }
0x44: {  	_ =	swait.ge [sflag:s15], $0x4000  }
0x45: {  	s21 =	simm.s32 $0x10;
	s22 =	simm.s32 $0x20;
	[sflag:s15] =	ssyncset.done $0x0  }
.LBB2_4:
0x46: {  	s23 =	sadd.s32 s21, s13  }
0x47: {  	[sflag:s15] =	ssyncadd.s32 $0xFFFFC000;
	s24 =	smov.u32 s22;
	s25 =	sadd.s32 $0x10, s22  }
0x48: {  	[tilespmem:s3], [sflag:$0x2] =	stream.linear.gather [hbm4b:s23+s3], $0x80, $0x38;
	[tilespmem:$0x18100] =	vst v63  }
0x49: {  	p0 =	sne.s32 s22, $0x4E0;
	_ =	swait.ge [sflag:s15], $0x80  }
0x4a: {  	[sflag:s15] =	ssyncset.done $0x0  }
0x4b: {  	s22 =	sadd.s32 s21, s12;
	s21 =	smov.u32 s24;
	[sflag:s15] =	ssyncadd.s32 $0xFFFFFF80  }
0x4c: {  	[tilespmem:s16], [sflag:$0x2] =	stream.linear.gather [hbm4b:s22+s3], $0x80, $0x38;
	[tilespmem:$0x18100] =	vst v63  }
0x4d: {  	_ =	swait.ge [sflag:s15], $0x80  }
0x4e: {  	[sflag:s15] =	ssyncset.done $0x0  }
0x4f: {  	[sflag:s15] =	ssyncadd.s32 $0xFFFFFF80  }
0x50: {  	[tilespmem:s14], [sflag:$0x1] =	stream.indirect.gather [hbm4b:s4+s16], $0x80, s3, s16, $0xb8;
	[tilespmem:$0x18100] =	vst v63  }
0x51: {  	_ =	swait.ge [sflag:s17], $0x4000  }
.Ltmp1:
0x52: {  	[sflag:s17] =	ssyncset.done $0x0;
	(pc) =	sbr.rel @p0 .LBB2_4-.Ltmp1, $4  }
0x53: {  	[sflag:s17] =	ssyncadd.s32 $0xFFFFC000  }
0x54: {  	[spmem:s2] =	stream.indirect.scatter.add.f32 [tilespmem:s14], [sflag:$0x2], $0x80, s16, s16, $0xb8;
	[tilespmem:$0x18100] =	vst v63  }
0x55: {  	_ =	swait.ge [sflag:s15], $0x4000  }
0x56: {  	s22 =	smov.u32 s25;
	[sflag:s15] =	ssyncset.done $0x0  }
0x57: {  	s22 =	sadd.s32 s21, s13;
	[sflag:s15] =	ssyncadd.s32 $0xFFFFC000  }
0x58: {  	[tilespmem:s3], [sflag:$0x2] =	stream.linear.gather [hbm4b:s22+s3], $0x80, $0x38;
	[tilespmem:$0x18100] =	vst v63  }
0x59: {  	_ =	swait.ge [sflag:s15], $0x80  }
0x5a: {  	[sflag:s15] =	ssyncset.done $0x0  }
0x5b: {  	s31 =	sadd.s32 s21, s12;
	[sflag:s15] =	ssyncadd.s32 $0xFFFFFF80  }
0x5c: {  	[tilespmem:s16], [sflag:$0x2] =	stream.linear.gather [hbm4b:s31+s3], $0x80, $0x38;
	[tilespmem:$0x18100] =	vst v63  }
0x5d: {  	_ =	swait.ge [sflag:s15], $0x80  }
0x5e: {  	[sflag:s15] =	ssyncset.done $0x0  }
0x5f: {  	[sflag:s15] =	ssyncadd.s32 $0xFFFFFF80  }
0x60: {  	[tilespmem:s14], [sflag:$0x1] =	stream.indirect.gather [hbm4b:s4+s16], $0x80, s3, s16, $0xb8;
	[tilespmem:$0x18100] =	vst v63  }
0x61: {  	_ =	swait.ge [sflag:s17], $0x4000  }
0x62: {  	[sflag:s17] =	ssyncset.done $0x0  }
0x63: {  	[sflag:s17] =	ssyncadd.s32 $0xFFFFC000  }
0x64: {  	[spmem:s2] =	stream.indirect.scatter.add.f32 [tilespmem:s14], [sflag:$0x2], $0x80, s16, s16, $0xb8;
	[tilespmem:$0x18100] =	vst v63  }
0x65: {  	_ =	swait.ge [sflag:s15], $0x4000  }
0x66: {  	s20 =	sadd.s32 $0x1, s20;
	[sflag:s15] =	ssyncset.done $0x0  }
0x67: {  	p0 =	sne.s32 s20, s6;
	[sflag:s15] =	ssyncadd.s32 $0xFFFFC000  }
.Ltmp2:
0x68: {  	[bflag:$0x0] =	sbarrier.arrive $0xFFFF;
	(pc) =	sbr.rel @p0 .LBB2_1-.Ltmp2, $4  }
0x69: {  	[hbm:s11], [sflag:s18] =	dma.local [spmem:s19], $0x2800  }
0x6a: {  	_ =	swait.ge [sflag:s15], $0x2800  }
0x6b: {  	[sflag:s15] =	ssyncset.done $0x0  }
0x6c: {  	[sflag:s15] =	ssyncadd.s32 $0xFFFFD800  }
0x6d: {  	_ =	sfence.sel $0x180000  }
0x6e: {  	[bflag:$0x0] =	sbarrier.arrive $0xFFFF  }
0x6f: {  	p0 =	sne.s32 s1, $0x0;
	_ =	strace $0x9000004A  }
0x70: {  	s0 =	sadd.s32 @!p0 $0x100000, s0;
	[bflag:$0x2] =	sbarrier.arrive $0xFFFF  }
0x71: {  	[sflag:s0] =	ssyncadd.tile.s32 @!p0 $0x1;
	_ =	shalt  }
.Lfunc_end2:
_tile_overlayer_lowered:
.L_overlay_start_2:
0x72: {  	(tag) =	ssettag $0x2  }
0x73: {  	s0 =	rddreg [dreg:$0x0];
	s2 =	stileid.u32  }
0x74: {  	s1 =	rddreg [dreg:$0x1];
	p0 =	sne.s32 s2, $0x0  }
0x75: {  	s3 =	rddreg [dreg:$0x2];
	[bflag:$0x3] =	sbarrier.arrive $0xFFFF;
	s2 =	simm.s32 @!p0 $0x1C02  }
0x76: {  	[timem:s3], [sflag:s2] =	dma.local @!p0 [hbm:s0], s1  }
0x77: {  	s0 =	simm.s32 @!p0 $0x2  }
0x78: {  	_ =	swait.ge @!p0 [sflag:s0], s1  }
0x79: {  	s1 =	ssub.s32 @!p0 $0x0, s1;
	[sflag:s0] =	ssyncset.done @!p0 $0x0  }
0x7a: {  	[sflag:s0] =	ssyncadd.s32 @!p0 s1  }
0x7b: {  	[bflag:$0x3] =	sbarrier.arrive $0xFFFF  }
0x7c: {  	_ =	shalt  }

// kernel: kernel.16.cloned.1.call-start
scs
__scs_entry_jumppad:
0x0: {  	(pc) =	sbr.rel $0x88, $3  }
0x1: {  	(tag) =	ssettag $0x0;
	lr =	simm.s32 $0x1  }
0x2: {  	[smem:$0x3F99] =	sst lr;
	_ =	strace $0xD0000000  }
0x3: {  	_ = 	snop  }
0x4: {  	_ = 	snop  }
0x5: {  	_ = 	snop  }
0x6: {  	_ = 	snop  }
0x7: {  	_ = 	snop  }
__scs_overlays_trampoline_lowered:
0x8: {  	[smem:$0x3FA8] =	sst s0  }
0x9: {  	[smem:$0x3FA9] =	sst s1  }
0xa: {  	[smem:$0x3FAA] =	sst s2  }
0xb: {  	[smem:$0x3FAB] =	sst s3  }
0xc: {  	[smem:$0x3FAC] =	sst s4  }
0xd: {  	[smem:$0x3FAD] =	sst s5  }
0xe: {  	[smem:$0x3FAE] =	sst s6  }
0xf: {  	[smem:$0x3FAF] =	sst s7  }
0x10: {  	[smem:$0x3FB0] =	sst s8  }
0x11: {  	[smem:$0x3FB1] =	sst s9;
	s0 =	simm.s32 @!p0 $0x0  }
0x12: {  	s1 =	sld [smem:$0x3F97];
	s0 =	simm.s32 @p0 $0x1  }
0x13: {  	[smem:$0x3FB2] =	sst s0;
	s0 =	simm.s32 @!p1 $0x0  }
0x14: {  	s2 =	sld [smem:$0x3F96];
	s0 =	simm.s32 @p1 $0x1  }
0x15: {  	[smem:$0x3FB3] =	sst s0;
	s0 =	simm.s32 @!p2 $0x0  }
0x16: {  	s3 =	sld [smem:$0x3FDB];
	s0 =	simm.s32 @p2 $0x1  }
0x17: {  	s4 =	simm.s32 $0x1BF5;
	[smem:$0x3FB5] =	sst s0  }
0x18: {  	s0 =	sld [smem:$0x3F98];
	_ =	swait.ge [sflag:s4], $0x0  }
0x19: {  	s7 =	sld [smem:$0x3F99]  }
0x1a: {  	s8 =	sadd.s32 $0xFFFFE003, lr  }
0x1b: {  	s9 =	sadd.s32 $0xFFFFFEF7, lr;
	s5 =	simm.s32 $0xFFFFFFFF;
	p2 =	slt.u32 s8, $0xFFFFF086  }
0x1c: {  	p1 =	slt.u32 s9, $0xF7A;
	s5 =	simm.s32 @!p2 $0x0  }
0x1d: {  	s5 =	simm.s32 @p1 $0x1;
	p0 =	seq.s32 s7, s2  }
0x1e: {  	s7 =	smul.u32 @!p0 $0xF7A, s2;
	p2 =	seq.s32 @!p0 s5, $0x0  }
0x1f: {  	s9 =	smul.u32 $0xF7A, s1;
	s8 =	simm.s32 @!p0 $0x1BF5;
	p2 =	por !p2, p0  }
0x20: {  	[sflag:s8] =	ssyncset.s32 @!p0 $0xFFFFF086;
	s6 =	sadd.s32 @!p0 s3, s7;
	s7 =	simm.s32 @!p0 $0x108  }
0x21: {  	s3 =	sadd.s32 s3, s9;
	s6 =	sadd.s32 @!p0 $0x88, s6;
	s7 =	simm.s32 @p2 $0x1082  }
0x22: {  	[simem:s7], [sflag:s8] =	dma.local @!p0 [hbm:s6], $0xF7A  }
0x23: {  	s9 =	sor.u32 $0xD0000000, s2;
	s6 =	simm.s32 $0x108;
	_ =	swait.ge @!p0 [sflag:s8], $0x0  }
0x24: {  	s3 =	sadd.s32 $0x88, s3;
	s6 =	simm.s32 @!p1 $0x1082;
	[sflag:s4] =	ssyncset.s32 $0xFFFFF086  }
0x25: {  	[simem:s6], [sflag:s4] =	dma.local [hbm:s3], $0xF7A  }
0x26: {  	[smem:$0x3F99] =	sst s1;
	(tag) =	ssettag s2;
	_ =	strace s9  }
0x27: {  	s1 =	sld [smem:$0x3FA9]  }
0x28: {  	s2 =	sld [smem:$0x3FAA]  }
0x29: {  	s4 =	sld [smem:$0x3FAC]  }
0x2a: {  	p0 =	seq.s32 s5, $0x0;
	s5 =	sld [smem:$0x3FAD]  }
0x2b: {  	s6 =	sld [smem:$0x3FAE]  }
0x2c: {  	s7 =	sld [smem:$0x3FAF]  }
0x2d: {  	s3 =	simm.s32 $0x108;
	s8 =	sld [smem:$0x3FB0]  }
0x2e: {  	s3 =	simm.s32 @!p0 $0x1082;
	s9 =	sld [smem:$0x3FB1]  }
0x2f: {  	lr =	sadd.s32 s0, s3;
	s0 =	sld [smem:$0x3FA8]  }
0x30: {  	s3 =	sld [smem:$0x3FAB]  }
0x31: {  	[smem:$0x3FB4] =	sst s10  }
0x32: {  	s10 =	sld [smem:$0x3FB2];
	_ =	sdelay $0x3  }
0x33: {  	p0 =	seq.s32 s10, $0x1;
	s10 =	sld [smem:$0x3FB4];
	_ =	sdelay $0x3  }
0x34: {  	[smem:$0x3FB4] =	sst s10  }
0x35: {  	s10 =	sld [smem:$0x3FB3];
	_ =	sdelay $0x3  }
0x36: {  	p1 =	seq.s32 s10, $0x1;
	s10 =	sld [smem:$0x3FB4];
	_ =	sdelay $0x3  }
0x37: {  	[smem:$0x3FB4] =	sst s10  }
0x38: {  	s10 =	sld [smem:$0x3FB5]  }
0x39: {  	_ = 	snop;
	(pc) =	sbr.ind lr, $3  }
0x3a: {  	_ = 	snop  }
0x3b: {  	_ = 	snop  }
0x3c: {  	p2 =	seq.s32 s10, $0x1;
	s10 =	sld [smem:$0x3FB4]  }
0x3d: {  	_ =	shalt  }
0x3e: {  	_ =	shalt  }
0x3f: {  	_ =	shalt  }
0x40: {  	_ =	shalt  }
0x41: {  	_ =	shalt  }
0x42: {  	_ =	shalt  }
0x43: {  	_ =	shalt  }
0x44: {  	_ =	shalt  }
0x45: {  	_ =	shalt  }
0x46: {  	_ =	shalt  }
0x47: {  	_ =	shalt  }
0x48: {  	_ =	shalt  }
0x49: {  	_ =	shalt  }
0x4a: {  	_ =	shalt  }
0x4b: {  	_ =	shalt  }
0x4c: {  	_ =	shalt  }
0x4d: {  	_ =	shalt  }
0x4e: {  	_ =	shalt  }
0x4f: {  	_ =	shalt  }
0x50: {  	_ =	shalt  }
0x51: {  	_ =	shalt  }
0x52: {  	_ =	shalt  }
0x53: {  	_ =	shalt  }
0x54: {  	_ =	shalt  }
0x55: {  	_ =	shalt  }
0x56: {  	_ =	shalt  }
0x57: {  	_ =	shalt  }
0x58: {  	_ =	shalt  }
0x59: {  	_ =	shalt  }
0x5a: {  	_ =	shalt  }
0x5b: {  	_ =	shalt  }
0x5c: {  	_ =	shalt  }
0x5d: {  	_ =	shalt  }
0x5e: {  	_ =	shalt  }
0x5f: {  	_ =	shalt  }
0x60: {  	_ =	shalt  }
0x61: {  	_ =	shalt  }
0x62: {  	_ =	shalt  }
0x63: {  	_ =	shalt  }
0x64: {  	_ =	shalt  }
0x65: {  	_ =	shalt  }
0x66: {  	_ =	shalt  }
0x67: {  	_ =	shalt  }
0x68: {  	_ =	shalt  }
0x69: {  	_ =	shalt  }
0x6a: {  	_ =	shalt  }
0x6b: {  	_ =	shalt  }
0x6c: {  	_ =	shalt  }
0x6d: {  	_ =	shalt  }
0x6e: {  	_ =	shalt  }
0x6f: {  	_ =	shalt  }
0x70: {  	_ =	shalt  }
0x71: {  	_ =	shalt  }
0x72: {  	_ =	shalt  }
0x73: {  	_ =	shalt  }
0x74: {  	_ =	shalt  }
0x75: {  	_ =	shalt  }
0x76: {  	_ =	shalt  }
0x77: {  	_ =	shalt  }
0x78: {  	_ =	shalt  }
0x79: {  	_ =	shalt  }
0x7a: {  	_ =	shalt  }
0x7b: {  	_ =	shalt  }
0x7c: {  	_ =	shalt  }
0x7d: {  	_ =	shalt  }
0x7e: {  	_ =	shalt  }
0x7f: {  	_ =	shalt  }
0x80: {  	_ =	shalt  }
0x81: {  	_ =	shalt  }
0x82: {  	_ =	shalt  }
0x83: {  	_ =	shalt  }
0x84: {  	_ =	shalt  }
0x85: {  	_ =	shalt  }
0x86: {  	_ =	shalt  }
0x87: {  	_ =	shalt  }
.Lfunc_end0:
.L_simem_size_0:
called_computation.2_lowered:
.L_overlay_start_0:
0x88: {  	s2 =	sld [smem:$0x3FD9]  }
0x89: {  	s3 =	sld [smem:$0x3FFE];
	_ =	sdelay $0x1  }
0x8a: {  	s1 =	srdreg.scid  }
0x8b: {  	s0 =	sand.u32 $0x1, s1  }
0x8c: {  	s17 =	sshll.u32 s0, $0xA;
	s2 =	sadd.s32 s3, s2  }
0x8d: {  	s2 =	sadd.s32 s2, s17  }
0x8e: {  	[smem:$0x3FC0] =	sst s2  }
0x8f: {  	_ = 	snop  }
0x90: {  	s2 =	sld [smem:$0x3FD0];
	(tm) =	ssettm $0x1  }
0x91: {  	s18 =	sld [smem:$0x3FFB];
	_ =	sdelay $0x3  }
0x92: {  	_ =	strace s18  }
0x93: {  	s3 =	sld [smem:$0x3FFC];
	_ =	sdelay $0x3  }
0x94: {  	_ =	strace s3  }
0x95: {  	s3 =	sld [smem:$0x3FFD];
	_ =	sdelay $0x3  }
0x96: {  	_ =	strace s3  }
0x97: {  	_ =	strace $0x8FFFFFFF  }
0x98: {  	s19 =	sld [smem:$0x3FDB];
	_ =	sdelay $0x1  }
0x99: {  	s4 =	simm.s32 $_scs_section_size  }
0x9a: {  	s5 =	simm.s32 $_size__tile_overlayer_lowered;
	s6 =	simm.s32 $_tile_overlayer_lowered  }
0x9b: {  	s22 =	simm.s32 $0x1BFF;
	s21 =	sshll.u32 s6, $0x1;
	s3 =	sadd.s32 s4, s19  }
0x9c: {  	s7 =	simm.s32 $0x0;
	s20 =	sshll.u32 s5, $0x1;
	s5 =	sadd.s32 s21, s3  }
0x9d: {  	[timem:s7], [sflag:s22] =	dma.local [hbm:s5], s20  }
0x9e: {  	_ =	swait.ge [sflag:s22], s20  }
0x9f: {  	s4 =	ssub.s32 $0x0, s20;
	[sflag:s22] =	ssyncset.done $0x0  }
0xa0: {  	[sflag:s22] =	ssyncadd.s32 s4;
	_ =	sdelay $0x1  }
0xa1: {  	s23 =	simm.s32 $0x1B8B  }
0xa2: {  	_ =	swait.ge [sflag:s23], $0x1  }
0xa3: {  	[sflag:s23] =	ssyncset.done $0x0  }
0xa4: {  	s25 =	simm.s32 $0x1B8E;
	s24 =	sld [smem:$0x3FFE];
	[sflag:s23] =	ssyncadd.s32 $0xFFFFFFFF  }
0xa5: {  	s26 =	simm.s32 $execute0_lowered;
	[smem:$0x3FD2] =	sst s25  }
0xa6: {  	s5 =	sshll.u32 s26, $0x1;
	_ =	strace $0x8000004C;
	[dreg:$0x1] =	wrdreg $0xFFFFFFFF  }
0xa7: {  	s28 =	simm.s32 $_size_execute0_lowered;
	s3 =	sadd.s32 s3, s5;
	[dreg:$0x0] =	wrdreg $0x0  }
0xa8: {  	s5 =	sshll.u32 s28, $0x1;
	[dreg:$0x2] =	wrdreg s3  }
0xa9: {  	[dreg:$0x3] =	wrdreg s5  }
0xaa: {  	[dreg:$0x4] =	wrdreg $0xC0  }
0xab: {  	_ =	task [dreg:s7], $0x5FFFF  }
0xac: {  	[dreg:$0x1] =	wrdreg $0xFFFFFFFF  }
0xad: {  	[dreg:$0x0] =	wrdreg $0x60  }
0xae: {  	[dreg:$0x2] =	wrdreg s24  }
0xaf: {  	[dreg:$0x3] =	wrdreg s2  }
0xb0: {  	[dreg:$0x4] =	wrdreg $0x41000  }
0xb1: {  	[dreg:$0x5] =	wrdreg $0x9  }
0xb2: {  	_ =	task.clear_ibuf [dreg:s7], $0x6FFFF;
	_ =	strace $0x9000004C  }
0xb3: {  	s29 =	simm.s32 $0x9;
	_ =	strace $0x8000004E  }
0xb4: {  	_ =	swait.ge [sflag:s29], $0x1  }
0xb5: {  	[sflag:s29] =	ssyncadd.s32 $0xFFFFFFFF  }
0xb6: {  	_ =	strace $0x9000004E  }
0xb7: {  	_ =	sfence  }
0xb8: {  	s30 =	sld [smem:$0x0];
	_ =	sdelay $0x2  }
0xb9: {  	s31 =	sshll.u32 s1, $0xD;
	s1 =	sshrl.u32 s1, $0x2  }
0xba: {  	s3 =	sand.u32 $0x4000, s31;
	s1 =	sadd.s32 s1, s30  }
0xbb: {  	s0 =	sor.u32 s3, s0;
	s1 =	sshll.u32 s1, $0x11  }
0xbc: {  	s0 =	sor.u32 s1, s0  }
0xbd: {  	s0 =	sadd.s32 $0x8F2B, s0  }
0xbe: {  	[sflag:s0] =	ssyncadd.remote.s32 $0x1  }
0xbf: {  	_ =	sfence.sel $0xFFFF  }
0xc0: {  	[dreg:$0x0] =	wrdreg $0xFFFFFFFF;
	(pc) =	sbr.abs _section_cstart, $3  }
0xc1: {  	[dreg:$0x1] =	wrdreg $0xFFFFFFFF  }
0xc2: {  	_ =	task.clear_ibuf [dreg:s7], $0x2FFFF;
	_ =	strace $0x9FFFFFFF  }
0xc3: {  	(tm) =	ssettm $0x7FFFFFFF  }
tec
execute0_lowered:
.L_overlay_start_1:
0x0: {  	(tag) =	ssettag $0x1  }
0x1: {  	s5 =	rddreg [dreg:$0x0]  }
0x2: {  	s11 =	rddreg [dreg:$0x1]  }
0x3: {  	s2 =	rddreg [dreg:$0x2]  }
0x4: {  	s0 =	rddreg [dreg:$0x3];
	s3 =	simm.s32 $0x0  }
0x5: {  	s1 =	stileid.u32;
	s4 =	srdreg.scid;
	s16 =	simm.s32 $0x80  }
0x6: {  	s17 =	simm.s32 $0x1;
	s20 =	simm.s32 $0x0;
	[smem:$0x7FF] =	sst s3  }
0x7: {  	s6 =	smul.u32 $0x4F0, s1;
	s7 =	sand.u32 $0x1, s4;
	s4 =	sadd.s32 $0x9600, s5  }
0x8: {  	s9 =	smul.u32 $0x50000, s1;
	s12 =	sadd.s32 $0x36600, s5;
	s14 =	sadd.s32 $0x5D800, s5  }
0x9: {  	s15 =	smul.u32 $0x2800, s1;
	s18 =	sshll.u32 s1, $0x6;
	_ =	strace $0x8000004D  }
0xa: {  	s8 =	ssub.s32 $0x2, s7;
	p0 =	seq.s32 s7, $0x1;
	s18 =	sor.u32 $0x1C02, s18  }
0xb: {  	s13 =	sadd.s32 s6, s5;
	s30 =	sshrl.u32 s8, $0x1;
	s31 =	sshrl.u32 s9, $0x2  }
0xc: {  	s11 =	smov.u32 @p0 s14;
	s4 =	smov.u32 @p0 s12;
	s14 =	simm.s32 $0x100  }
0xd: {  	s6 =	ssub.s32 s8, s30;
	s5 =	sadd.s32 s31, s2;
	s11 =	sadd.s32 s11, s15  }
0xe: {  	s12 =	sadd.s32 $0x31600, s13;
	s13 =	sadd.s32 $0x4600, s13;
	s15 =	simm.s32 $0x2  }
0xf: {  	s6 =	smax.u32 s6, $0x1;
	s7 =	sadd.s32 $0x4000, s5;
	s8 =	sadd.s32 $0x8000, s5  }
0x10: {  	v0 =	vimm.f32 $0.0e+00;
	s9 =	sadd.s32 $0xC000, s5;
	s10 =	sadd.s32 $0x10000, s5;
	s19 =	sshrl.u32 s5, $0x3  }
.LBB2_1:
0x11: {  	s21 =	simm.s32 $0x0;
	s22 =	simm.s32 $0x200  }
.LBB2_2:
0x12: {  	p0 =	sne.s32 s22, $0xFE00;
	[tilespmem:s21+$0x170] =	vst v0  }
0x13: {  	[tilespmem:s21+$0x100] =	vst v0  }
0x14: {  	[tilespmem:s21+$0x110] =	vst v0  }
.Ltmp0:
0x15: {  	[tilespmem:s21+$0x120] =	vst v0;
	(pc) =	sbr.rel @p0 .LBB2_2-.Ltmp0, $4  }
0x16: {  	[tilespmem:s21+$0x130] =	vst v0  }
0x17: {  	[tilespmem:s21+$0x140] =	vst v0  }
0x18: {  	[tilespmem:s21+$0x150] =	vst v0  }
0x19: {  	[tilespmem:s21+$0x160] =	vst v0;
	s21 =	sshra.s32 s22, $0x2;
	s22 =	sadd.s32 $0x200, s22  }
0x1a: {  	[tilespmem:s21+$0x170] =	vst v0  }
0x1b: {  	[tilespmem:s21+$0x100] =	vst v0  }
0x1c: {  	[tilespmem:s21+$0x110] =	vst v0  }
0x1d: {  	[tilespmem:s21+$0x120] =	vst v0  }
0x1e: {  	[tilespmem:s21+$0x130] =	vst v0  }
0x1f: {  	[tilespmem:s21+$0x140] =	vst v0  }
0x20: {  	[tilespmem:s21+$0x150] =	vst v0  }
0x21: {  	[tilespmem:s21+$0x160] =	vst v0  }
0x22: {  	[spmem:s5] =	stream.linear.scatter [tilespmem:s14], [sflag:$0x2], $0x4000, $0x38;
	[tilespmem:$0x18100] =	vst v63  }
0x23: {  	_ =	swait.ge [sflag:s15], $0x4000  }
0x24: {  	[sflag:s15] =	ssyncset.done $0x0  }
0x25: {  	[sflag:s15] =	ssyncadd.s32 $0xFFFFC000  }
0x26: {  	[spmem:s7] =	stream.linear.scatter [tilespmem:s14], [sflag:$0x2], $0x4000, $0x38;
	[tilespmem:$0x18100] =	vst v63  }
0x27: {  	_ =	swait.ge [sflag:s15], $0x4000  }
0x28: {  	[sflag:s15] =	ssyncset.done $0x0  }
0x29: {  	[sflag:s15] =	ssyncadd.s32 $0xFFFFC000  }
0x2a: {  	[spmem:s8] =	stream.linear.scatter [tilespmem:s14], [sflag:$0x2], $0x4000, $0x38;
	[tilespmem:$0x18100] =	vst v63  }
0x2b: {  	_ =	swait.ge [sflag:s15], $0x4000  }
0x2c: {  	[sflag:s15] =	ssyncset.done $0x0  }
0x2d: {  	[sflag:s15] =	ssyncadd.s32 $0xFFFFC000  }
0x2e: {  	[spmem:s9] =	stream.linear.scatter [tilespmem:s14], [sflag:$0x2], $0x4000, $0x38;
	[tilespmem:$0x18100] =	vst v63  }
0x2f: {  	_ =	swait.ge [sflag:s15], $0x4000  }
0x30: {  	[sflag:s15] =	ssyncset.done $0x0  }
0x31: {  	[sflag:s15] =	ssyncadd.s32 $0xFFFFC000  }
0x32: {  	[spmem:s10] =	stream.linear.scatter [tilespmem:s14], [sflag:$0x2], $0x4000, $0x38;
	[tilespmem:$0x18100] =	vst v63  }
0x33: {  	_ =	swait.ge [sflag:s15], $0x4000  }
0x34: {  	[sflag:s15] =	ssyncset.done $0x0  }
0x35: {  	[sflag:s15] =	ssyncadd.s32 $0xFFFFC000  }
0x36: {  	s30 =	sadd.s32 $0x0, s13;
	[bflag:$0x0] =	sbarrier.arrive $0xFFFF  }
0x37: {  	[tilespmem:s3], [sflag:$0x2] =	stream.linear.gather [hbm4b:s30+s3], $0x80, $0x38;
	[tilespmem:$0x18100] =	vst v63  }
0x38: {  	_ =	swait.ge [sflag:s15], $0x80  }
0x39: {  	[sflag:s15] =	ssyncset.done $0x0  }
0x3a: {  	s31 =	sadd.s32 $0x0, s12;
	[sflag:s15] =	ssyncadd.s32 $0xFFFFFF80  }
0x3b: {  	[tilespmem:s16], [sflag:$0x2] =	stream.linear.gather [hbm4b:s31+s3], $0x80, $0x38;
	[tilespmem:$0x18100] =	vst v63  }
0x3c: {  	_ =	swait.ge [sflag:s15], $0x80  }
0x3d: {  	[sflag:s15] =	ssyncset.done $0x0  }
0x3e: {  	[sflag:s15] =	ssyncadd.s32 $0xFFFFFF80  }
0x3f: {  	[tilespmem:s14], [sflag:$0x1] =	stream.indirect.gather [hbm4b:s4+s16], $0x80, s3, s16, $0xb8;
	[tilespmem:$0x18100] =	vst v63  }
0x40: {  	_ =	swait.ge [sflag:s17], $0x4000  }
0x41: {  	[sflag:s17] =	ssyncset.done $0x0  }
0x42: {  	[sflag:s17] =	ssyncadd.s32 $0xFFFFC000  }
0x43: {  	[spmem:s2] =	stream.indirect.scatter.add.f32 [tilespmem:s14], [sflag:$0x2], $0x80, s16, s16, $0xb8;
	[tilespmem:$0x18100] =	vst v63  }
0x44: {  	_ =	swait.ge [sflag:s15], $0x4000  }
0x45: {  	s21 =	simm.s32 $0x10;
	s22 =	simm.s32 $0x20;
	[sflag:s15] =	ssyncset.done $0x0  }
.LBB2_4:
0x46: {  	s23 =	sadd.s32 s21, s13  }
0x47: {  	[sflag:s15] =	ssyncadd.s32 $0xFFFFC000;
	s24 =	smov.u32 s22;
	s25 =	sadd.s32 $0x10, s22  }
0x48: {  	[tilespmem:s3], [sflag:$0x2] =	stream.linear.gather [hbm4b:s23+s3], $0x80, $0x38;
	[tilespmem:$0x18100] =	vst v63  }
0x49: {  	p0 =	sne.s32 s22, $0x4E0;
	_ =	swait.ge [sflag:s15], $0x80  }
0x4a: {  	[sflag:s15] =	ssyncset.done $0x0  }
0x4b: {  	s22 =	sadd.s32 s21, s12;
	s21 =	smov.u32 s24;
	[sflag:s15] =	ssyncadd.s32 $0xFFFFFF80  }
0x4c: {  	[tilespmem:s16], [sflag:$0x2] =	stream.linear.gather [hbm4b:s22+s3], $0x80, $0x38;
	[tilespmem:$0x18100] =	vst v63  }
0x4d: {  	_ =	swait.ge [sflag:s15], $0x80  }
0x4e: {  	[sflag:s15] =	ssyncset.done $0x0  }
0x4f: {  	[sflag:s15] =	ssyncadd.s32 $0xFFFFFF80  }
0x50: {  	[tilespmem:s14], [sflag:$0x1] =	stream.indirect.gather [hbm4b:s4+s16], $0x80, s3, s16, $0xb8;
	[tilespmem:$0x18100] =	vst v63  }
0x51: {  	_ =	swait.ge [sflag:s17], $0x4000  }
.Ltmp1:
0x52: {  	[sflag:s17] =	ssyncset.done $0x0;
	(pc) =	sbr.rel @p0 .LBB2_4-.Ltmp1, $4  }
0x53: {  	[sflag:s17] =	ssyncadd.s32 $0xFFFFC000  }
0x54: {  	[spmem:s2] =	stream.indirect.scatter.add.f32 [tilespmem:s14], [sflag:$0x2], $0x80, s16, s16, $0xb8;
	[tilespmem:$0x18100] =	vst v63  }
0x55: {  	_ =	swait.ge [sflag:s15], $0x4000  }
0x56: {  	s22 =	smov.u32 s25;
	[sflag:s15] =	ssyncset.done $0x0  }
0x57: {  	s22 =	sadd.s32 s21, s13;
	[sflag:s15] =	ssyncadd.s32 $0xFFFFC000  }
0x58: {  	[tilespmem:s3], [sflag:$0x2] =	stream.linear.gather [hbm4b:s22+s3], $0x80, $0x38;
	[tilespmem:$0x18100] =	vst v63  }
0x59: {  	_ =	swait.ge [sflag:s15], $0x80  }
0x5a: {  	[sflag:s15] =	ssyncset.done $0x0  }
0x5b: {  	s31 =	sadd.s32 s21, s12;
	[sflag:s15] =	ssyncadd.s32 $0xFFFFFF80  }
0x5c: {  	[tilespmem:s16], [sflag:$0x2] =	stream.linear.gather [hbm4b:s31+s3], $0x80, $0x38;
	[tilespmem:$0x18100] =	vst v63  }
0x5d: {  	_ =	swait.ge [sflag:s15], $0x80  }
0x5e: {  	[sflag:s15] =	ssyncset.done $0x0  }
0x5f: {  	[sflag:s15] =	ssyncadd.s32 $0xFFFFFF80  }
0x60: {  	[tilespmem:s14], [sflag:$0x1] =	stream.indirect.gather [hbm4b:s4+s16], $0x80, s3, s16, $0xb8;
	[tilespmem:$0x18100] =	vst v63  }
0x61: {  	_ =	swait.ge [sflag:s17], $0x4000  }
0x62: {  	[sflag:s17] =	ssyncset.done $0x0  }
0x63: {  	[sflag:s17] =	ssyncadd.s32 $0xFFFFC000  }
0x64: {  	[spmem:s2] =	stream.indirect.scatter.add.f32 [tilespmem:s14], [sflag:$0x2], $0x80, s16, s16, $0xb8;
	[tilespmem:$0x18100] =	vst v63  }
0x65: {  	_ =	swait.ge [sflag:s15], $0x4000  }
0x66: {  	s20 =	sadd.s32 $0x1, s20;
	[sflag:s15] =	ssyncset.done $0x0  }
0x67: {  	p0 =	sne.s32 s20, s6;
	[sflag:s15] =	ssyncadd.s32 $0xFFFFC000  }
.Ltmp2:
0x68: {  	[bflag:$0x0] =	sbarrier.arrive $0xFFFF;
	(pc) =	sbr.rel @p0 .LBB2_1-.Ltmp2, $4  }
0x69: {  	[hbm:s11], [sflag:s18] =	dma.local [spmem:s19], $0x2800  }
0x6a: {  	_ =	swait.ge [sflag:s15], $0x2800  }
0x6b: {  	[sflag:s15] =	ssyncset.done $0x0  }
0x6c: {  	[sflag:s15] =	ssyncadd.s32 $0xFFFFD800  }
0x6d: {  	_ =	sfence.sel $0x180000  }
0x6e: {  	[bflag:$0x0] =	sbarrier.arrive $0xFFFF  }
0x6f: {  	p0 =	sne.s32 s1, $0x0;
	_ =	strace $0x9000004D  }
0x70: {  	s0 =	sadd.s32 @!p0 $0x100000, s0;
	[bflag:$0x2] =	sbarrier.arrive $0xFFFF  }
0x71: {  	[sflag:s0] =	ssyncadd.tile.s32 @!p0 $0x1;
	_ =	shalt  }
.Lfunc_end2:
_tile_overlayer_lowered:
.L_overlay_start_2:
0x72: {  	(tag) =	ssettag $0x2  }
0x73: {  	s0 =	rddreg [dreg:$0x0];
	s2 =	stileid.u32  }
0x74: {  	s1 =	rddreg [dreg:$0x1];
	p0 =	sne.s32 s2, $0x0  }
0x75: {  	s3 =	rddreg [dreg:$0x2];
	[bflag:$0x3] =	sbarrier.arrive $0xFFFF;
	s2 =	simm.s32 @!p0 $0x1C02  }
0x76: {  	[timem:s3], [sflag:s2] =	dma.local @!p0 [hbm:s0], s1  }
0x77: {  	s0 =	simm.s32 @!p0 $0x2  }
0x78: {  	_ =	swait.ge @!p0 [sflag:s0], s1  }
0x79: {  	s1 =	ssub.s32 @!p0 $0x0, s1;
	[sflag:s0] =	ssyncset.done @!p0 $0x0  }
0x7a: {  	[sflag:s0] =	ssyncadd.s32 @!p0 s1  }
0x7b: {  	[bflag:$0x3] =	sbarrier.arrive $0xFFFF  }
0x7c: {  	_ =	shalt  }

</sc_bundles>
